<compile_context>
chip_gen: v7x
topology: tpu7x:2x2x1
jax: 0.10.2.dev20260603
libtpu: 0.0.44.dev20260713+nightly
codegen_flags: <defaults>
</compile_context>

<pallas_src>
import functools

import jax
import jax.numpy as jnp
from jax.experimental import pallas as pl
from jax.experimental.pallas import tpu as pltpu
from jax.experimental.pallas import tpu_sc as plsc

F32 = jnp.float32


def _ceil8(n):
    return (n + 7) // 8 * 8


def _tap_matmul(x, w_ref, starts, L):
    acc = None
    for t, s in enumerate(starts):
        xs = jax.lax.slice(x, (s, 0), (s + L, x.shape[1]))
        p = jnp.dot(xs, w_ref[t], preferred_element_type=F32)
        acc = p if acc is None else acc + p
    return acc


def _s2d_conv_body(x_ref, w_ref, b_ref, o_ref, *, starts, Lc):
    c = pl.program_id(1)
    base = pl.multiple_of(c * Lc, 8)
    x = x_ref[0, pl.ds(base, Lc + _ceil8(starts[-1])), :]
    acc = _tap_matmul(x, w_ref, starts, Lc) + b_ref[:]
    o_ref[0] = jnp.maximum(acc, 0.0)


def _s2d_conv(X, W, b, starts, nc):
    B, P, K = X.shape
    T, _, N = W.shape
    Po = _ceil8((P + nc - 1) // nc) * nc
    Lc = Po // nc
    Xp = Po + _ceil8(starts[-1])
    X = jnp.pad(X, ((0, 0), (0, Xp - P), (0, 0)))
    body = functools.partial(_s2d_conv_body, starts=starts, Lc=Lc)
    return pl.pallas_call(
        body,
        grid=(B, nc),
        in_specs=[
            pl.BlockSpec((1, Xp, K), lambda i, c: (i, 0, 0)),
            pl.BlockSpec((T, K, N), lambda i, c: (0, 0, 0)),
            pl.BlockSpec((1, N), lambda i, c: (0, 0)),
        ],
        out_specs=pl.BlockSpec((1, Lc, N), lambda i, c: (i, c, 0)),
        out_shape=jax.ShapeDtypeStruct((B, Po, N), F32),
    )(X, W, b)


def _enc_dec_core(x, wcr, bcr, wa1r, wb1r, wa2r, wb2r, starts, L, mask, s0):
    y = _tap_matmul(x, wcr, starts, L) + bcr[:]
    y = y * mask
    zpad = jnp.zeros((s0, y.shape[1]), F32)
    for war, wbr in ((wa1r, wb1r), (wa2r, wb2r)):
        xp = jnp.concatenate([zpad, y, zpad], axis=0)
        h = jnp.maximum(xp, 0.0)
        t = _tap_matmul(h, war, starts, L)
        t = jnp.maximum(t, 0.0)
        t = jnp.dot(t, wbr[:], preferred_element_type=F32)
        y = (y + t) * mask
    return jnp.maximum(y, 0.0)


def _mega_body(x_ref, wc, bc, wa1, wb1, wa2, wb2, pv, pvb, cbt, cb,
               wd, bd, da1, db1, da2, db2, wt1, bt1,
               o_ref, loss_ref, perp_ref, cnt_ref, sq_ref,
               *, nb, L, Wp, s0, starts, total):
    bidx = pl.program_id(0)
    col = (jax.lax.broadcasted_iota(jnp.int32, (L, 1), 0) + s0) % Wp
    mask = ((col >= 1) & (col <= Wp - 2)).astype(F32)
    x = x_ref[0]
    f = _enc_dec_core(x, wc, bc, wa1, wb1, wa2, wb2, starts, L, mask, s0)
    z = jnp.dot(f, pv[:], preferred_element_type=F32) + pvb[:]
    cbtv = cbt[:]
    cn = jnp.sum(cbtv * cbtv, axis=0, keepdims=True)
    zn = jnp.sum(z * z, axis=1, keepdims=True)
    mm = jnp.dot(z, cbtv, preferred_element_type=F32)
    dist = zn + cn - 2.0 * mm
    idx = jnp.argmin(dist, axis=1).astype(jnp.int32).reshape(L, 1)
    oh = (jax.lax.broadcasted_iota(jnp.int32, (L, dist.shape[1]), 1)
          == idx).astype(F32)
    q = jnp.dot(oh, cb[:], preferred_element_type=F32)
    e = (q - z) * mask
    sq = jnp.sum(e * e)
    cnt = jnp.sum(oh * mask, axis=0, keepdims=True)

    @pl.when(bidx == 0)
    def _():
        cnt_ref[:] = cnt
        sq_ref[0] = sq

    @pl.when(bidx > 0)
    def _():
        cnt_ref[:] = cnt_ref[:] + cnt
        sq_ref[0] = sq_ref[0] + sq

    @pl.when(bidx == nb - 1)
    def _():
        avg = cnt_ref[:] / total
        ent = jnp.sum(avg * jnp.log(avg + 1e-10))
        perp_ref[:] = jnp.exp(-ent) * jnp.ones((1, 1), F32)
        loss_ref[:] = (0.25 * sq_ref[0] / (total * 64.0)) * jnp.ones((1, 1), F32)

    zq = jnp.zeros((s0, q.shape[1]), F32)
    xq = jnp.concatenate([zq, q * mask, zq], axis=0)
    fd = _enc_dec_core(xq, wd, bd, da1, db1, da2, db2, starts, L, mask, s0)
    zc = jnp.zeros((s0, fd.shape[1]), F32)
    xf = jnp.concatenate([zc, fd, zc], axis=0)
    b1 = bt1[:]
    outs = []
    for pi, (sy, sx) in enumerate(_PH):
        acc = None
        for ti, (uy, ux) in enumerate(_PH):
            s = (sy + uy) * Wp + (sx + ux)
            xs = jax.lax.slice(xf, (s, 0), (s + L, xf.shape[1]))
            p = jnp.dot(xs, wt1[pi, ti], preferred_element_type=F32)
            acc = p if acc is None else acc + p
        outs.append(jnp.maximum(acc + b1, 0.0))
    o_ref[0] = jnp.concatenate(outs, axis=1)


def _mega(X, wc, bc, wa1, wb1, wa2, wb2, pv, pvb, cb,
          wd, bd, da1, db1, da2, db2, wt1, bt1):
    B, P, K = X.shape
    Wp = 58
    s0 = Wp + 1
    L = P - 2 * s0
    starts = tuple(ty * Wp + tx for ty in range(3) for tx in range(3))
    body = functools.partial(_mega_body, nb=B, L=L, Wp=Wp, s0=s0,
                             starts=starts, total=float(B * 56 * 56))
    cst = lambda a: pl.BlockSpec(a.shape, lambda i: (0,) * a.ndim)
    arrs = [X, wc, bc, wa1, wb1, wa2, wb2, pv, pvb, cb.T, cb,
            wd, bd, da1, db1, da2, db2, wt1, bt1]
    in_specs = [pl.BlockSpec((1, P, K), lambda i: (i, 0, 0))]
    in_specs += [cst(a) for a in arrs[1:]]
    scalar_spec = pl.BlockSpec((1, 1), lambda i: (0, 0))
    return pl.pallas_call(
        body,
        grid=(B,),
        in_specs=in_specs,
        out_specs=[
            pl.BlockSpec((1, L, 256), lambda i: (i, 0, 0)),
            scalar_spec, scalar_spec,
        ],
        out_shape=[
            jax.ShapeDtypeStruct((B, L, 256), F32),
            jax.ShapeDtypeStruct((1, 1), F32),
            jax.ShapeDtypeStruct((1, 1), F32),
        ],
        scratch_shapes=[
            pltpu.VMEM((1, 512), F32),
            pltpu.SMEM((1,), F32),
        ],
    )(*arrs)


def _enc_vq_body(x_ref, wc, bc, wa1, wb1, wa2, wb2, pv, pvb, cbt,
                 idx_ref, loss_ref, perp_ref, cnt_ref, sq_ref,
                 *, nb, L, Wp, s0, starts, total):
    bidx = pl.program_id(0)
    col = (jax.lax.broadcasted_iota(jnp.int32, (L, 1), 0) + s0) % Wp
    mask = ((col >= 1) & (col <= Wp - 2)).astype(F32)
    x = x_ref[0]
    f = _enc_dec_core(x, wc, bc, wa1, wb1, wa2, wb2, starts, L, mask, s0)
    z = jnp.dot(f, pv[:], preferred_element_type=F32) + pvb[:]
    cbtv = cbt[:]
    cn = jnp.sum(cbtv * cbtv, axis=0, keepdims=True)
    zn = jnp.sum(z * z, axis=1, keepdims=True)
    mm = jnp.dot(z, cbtv, preferred_element_type=F32)
    dist = zn + cn - 2.0 * mm
    idx = jnp.argmin(dist, axis=1).astype(jnp.int32).reshape(L, 1)
    dmin = jnp.min(dist, axis=1, keepdims=True)
    sq = jnp.sum(dmin * mask)
    oh = (jax.lax.broadcasted_iota(jnp.int32, (L, dist.shape[1]), 1)
          == idx).astype(F32)
    cnt = jnp.sum(oh * mask, axis=0, keepdims=True)
    idx_ref[0] = jnp.where(mask > 0.0, idx, 512).astype(F32)

    @pl.when(bidx == 0)
    def _():
        cnt_ref[:] = cnt
        sq_ref[0] = sq

    @pl.when(bidx > 0)
    def _():
        cnt_ref[:] = cnt_ref[:] + cnt
        sq_ref[0] = sq_ref[0] + sq

    @pl.when(bidx == nb - 1)
    def _():
        avg = cnt_ref[:] / total
        ent = jnp.sum(avg * jnp.log(avg + 1e-10))
        perp_ref[:] = jnp.exp(-ent) * jnp.ones((1, 1), F32)
        loss_ref[:] = (0.25 * sq_ref[0] / (total * 64.0)) * jnp.ones((1, 1), F32)


def _enc_vq(X, wc, bc, wa1, wb1, wa2, wb2, pv, pvb, cb):
    B, P, K = X.shape
    Wp = 58
    s0 = Wp + 1
    L = P - 2 * s0
    starts = tuple(ty * Wp + tx for ty in range(3) for tx in range(3))
    body = functools.partial(_enc_vq_body, nb=B, L=L, Wp=Wp, s0=s0,
                             starts=starts, total=float(B * 56 * 56))
    cst = lambda a: pl.BlockSpec(a.shape, lambda i: (0,) * a.ndim)
    arrs = [X, wc, bc, wa1, wb1, wa2, wb2, pv, pvb, cb.T]
    in_specs = [pl.BlockSpec((1, P, K), lambda i: (i, 0, 0))]
    in_specs += [cst(a) for a in arrs[1:]]
    scalar_spec = pl.BlockSpec((1, 1), lambda i: (0, 0))
    return pl.pallas_call(
        body,
        grid=(B,),
        in_specs=in_specs,
        out_specs=[
            pl.BlockSpec((1, L, 1), lambda i: (i, 0, 0)),
            scalar_spec, scalar_spec,
        ],
        out_shape=[
            jax.ShapeDtypeStruct((B, L, 1), F32),
            jax.ShapeDtypeStruct((1, 1), F32),
            jax.ShapeDtypeStruct((1, 1), F32),
        ],
        scratch_shapes=[
            pltpu.VMEM((1, 512), F32),
            pltpu.SMEM((1,), F32),
        ],
    )(*arrs)


def _sc_gather(table, idx):
    info = plsc.get_sparse_core_info()
    NC, NS = info.num_cores, info.num_subcores
    NW = NC * NS
    Bt = idx.shape[0]
    bpw = Bt // NW
    nch = bpw // 128
    mesh = plsc.VectorSubcoreMesh(core_axis_name="c", subcore_axis_name="s")

    @functools.partial(
        pl.kernel, mesh=mesh,
        out_type=jax.ShapeDtypeStruct((Bt, 128), F32),
        scratch_types=[
            pltpu.VMEM((bpw,), jnp.int32),
            pltpu.VMEM((bpw, 128), F32),
            pltpu.SemaphoreType.DMA,
        ],
    )
    def k(table_hbm, idx_hbm, out_hbm, idx_v, rows_v, sem):
        wid = jax.lax.axis_index("s") * NC + jax.lax.axis_index("c")
        base = wid * bpw
        pltpu.sync_copy(idx_hbm.at[pl.ds(base, bpw)], idx_v)
        descs = [
            pltpu.async_copy(
                table_hbm.at[idx_v.at[pl.ds(j * 128, 128)]],
                rows_v.at[pl.ds(j * 128, 128)], sem)
            for j in range(nch)
        ]
        for dsc in descs:
            dsc.wait()
        pltpu.sync_copy(rows_v, out_hbm.at[pl.ds(base, bpw)])

    return k(table, idx)


def _dec_body(q_ref, wd, bd, da1, db1, da2, db2, wt1, bt1, o_ref,
              *, L, Wp, s0, starts):
    col = (jax.lax.broadcasted_iota(jnp.int32, (L, 1), 0) + s0) % Wp
    mask = ((col >= 1) & (col <= Wp - 2)).astype(F32)
    q = q_ref[0]
    zq = jnp.zeros((s0, q.shape[1]), F32)
    xq = jnp.concatenate([zq, q * mask, zq], axis=0)
    fd = _enc_dec_core(xq, wd, bd, da1, db1, da2, db2, starts, L, mask, s0)
    zc = jnp.zeros((s0, fd.shape[1]), F32)
    xf = jnp.concatenate([zc, fd, zc], axis=0)
    b1 = bt1[:]
    outs = []
    for pi, (sy, sx) in enumerate(_PH):
        acc = None
        for ti, (uy, ux) in enumerate(_PH):
            s = (sy + uy) * Wp + (sx + ux)
            xs = jax.lax.slice(xf, (s, 0), (s + L, xf.shape[1]))
            p = jnp.dot(xs, wt1[pi, ti], preferred_element_type=F32)
            acc = p if acc is None else acc + p
        outs.append(jnp.maximum(acc + b1, 0.0))
    o_ref[0] = jnp.concatenate(outs, axis=1)


def _dec(Q, wd, bd, da1, db1, da2, db2, wt1, bt1):
    B, L, K = Q.shape
    Wp = 58
    s0 = Wp + 1
    starts = tuple(ty * Wp + tx for ty in range(3) for tx in range(3))
    body = functools.partial(_dec_body, L=L, Wp=Wp, s0=s0, starts=starts)
    cst = lambda a: pl.BlockSpec(a.shape, lambda i: (0,) * a.ndim)
    arrs = [Q, wd, bd, da1, db1, da2, db2, wt1, bt1]
    in_specs = [pl.BlockSpec((1, L, K), lambda i: (i, 0, 0))]
    in_specs += [cst(a) for a in arrs[1:]]
    return pl.pallas_call(
        body,
        grid=(B,),
        in_specs=in_specs,
        out_specs=pl.BlockSpec((1, L, 256), lambda i: (i, 0, 0)),
        out_shape=jax.ShapeDtypeStruct((B, L, 256), F32),
    )(*arrs)


_PH = ((0, 0), (0, 1), (1, 0), (1, 1))


def _convt_body(x_ref, w_ref, b_ref, o_ref, *, Wp, Lc, relu):
    c = pl.program_id(1)
    base = pl.multiple_of(c * Lc, 8)
    x = x_ref[0, pl.ds(base, Lc + _ceil8(2 * Wp + 2)), :]
    b = b_ref[:]
    outs = []
    for pi, (sy, sx) in enumerate(_PH):
        acc = None
        for ti, (uy, ux) in enumerate(_PH):
            s = (sy + uy) * Wp + (sx + ux)
            xs = jax.lax.slice(x, (s, 0), (s + Lc, x.shape[1]))
            p = jnp.dot(xs, w_ref[pi, ti], preferred_element_type=F32)
            acc = p if acc is None else acc + p
        acc = acc + b
        if relu:
            acc = jnp.maximum(acc, 0.0)
        outs.append(acc)
    o_ref[0] = jnp.concatenate(outs, axis=1)


def _convt(X, W, b, Wp, relu, nc):
    B, P, K = X.shape
    N = W.shape[-1]
    Po = _ceil8((P + nc - 1) // nc) * nc
    Lc = Po // nc
    Xp = Po + _ceil8(2 * Wp + 2)
    X = jnp.pad(X, ((0, 0), (0, Xp - P), (0, 0)))
    body = functools.partial(_convt_body, Wp=Wp, Lc=Lc, relu=relu)
    return pl.pallas_call(
        body,
        grid=(B, nc),
        in_specs=[
            pl.BlockSpec((1, Xp, K), lambda i, c: (i, 0, 0)),
            pl.BlockSpec(W.shape, lambda i, c: (0, 0, 0, 0)),
            pl.BlockSpec(b.shape, lambda i, c: (0, 0)),
        ],
        out_specs=pl.BlockSpec((1, Lc, 4 * N), lambda i, c: (i, c, 0)),
        out_shape=jax.ShapeDtypeStruct((B, Po, 4 * N), F32),
    )(X, W, b)


def _w9(w):
    return w.transpose(2, 3, 1, 0).reshape(9, w.shape[1], w.shape[0])


def _w_s2d(w):
    O, I = w.shape[0], w.shape[1]
    wt = w.transpose(2, 3, 1, 0).reshape(2, 2, 2, 2, I, O)
    return wt.transpose(0, 2, 1, 3, 4, 5).reshape(4, 4 * I, O)


def _w_convt(w):
    cols = []
    for sy, sx in _PH:
        taps = [w[:, :, 3 - sy - 2 * uy, 3 - sx - 2 * ux] for uy, ux in _PH]
        cols.append(jnp.stack(taps, axis=0))
    return jnp.stack(cols, axis=0)


def _s2d(a):
    B, H, _, C = a.shape
    M = H // 2 + 1
    ap = jnp.pad(a, ((0, 0), (1, 1), (1, 1), (0, 0)))
    ap = ap.reshape(B, M, 2, M, 2, C).transpose(0, 1, 3, 2, 4, 5)
    return ap.reshape(B, M * M, 4 * C)


def _unflat(o, Mp, M):
    B, _, N = o.shape
    return o[:, :Mp * Mp].reshape(B, Mp, Mp, N)[:, :M, :M, :]


def _pad_flat(a):
    B, H, _, C = a.shape
    ap = jnp.pad(a, ((0, 0), (1, 1), (1, 1), (0, 0)))
    return ap.reshape(B, (H + 2) * (H + 2), C)


def _d2s(o, Mp, M, N):
    B = o.shape[0]
    a = o[:, :Mp * Mp].reshape(B, Mp, Mp, 2, 2, N)[:, :M, :M]
    return a.transpose(0, 1, 3, 2, 4, 5).reshape(B, 2 * M, 2 * M, N)


@jax.jit
def kernel(x, e1_w, e1_b, e2_w, e2_b, e3_w, e3_b, er1_w1, er1_w2,
           er2_w1, er2_w2, pv_w, pv_b, codebook, d1_w, d1_b, dr1_w1,
           dr1_w2, dr2_w1, dr2_w2, dt1_w, dt1_b, dt2_w, dt2_b):
    B = x.shape[0]
    xt = x.transpose(0, 2, 3, 1)
    X1 = _s2d(xt)
    o1 = _s2d_conv(X1, _w_s2d(e1_w), e1_b.reshape(1, -1),
                   starts=(0, 1, 113, 114), nc=4)
    a1 = _unflat(o1, 113, 112)
    X2 = _s2d(a1)
    o2 = _s2d_conv(X2, _w_s2d(e2_w), e2_b.reshape(1, -1),
                   starts=(0, 1, 57, 58), nc=1)
    a2 = _unflat(o2, 57, 56)
    X3 = _pad_flat(a2)
    idxf, loss, perp = _enc_vq(
        X3, _w9(e3_w), e3_b.reshape(1, -1),
        _w9(er1_w1), er1_w2[:, :, 0, 0].T,
        _w9(er2_w1), er2_w2[:, :, 0, 0].T,
        pv_w[:, :, 0, 0].T, pv_b.reshape(1, -1), codebook)
    L3 = idxf.shape[1]
    nrows = B * L3
    npad = 32 * 896
    idx32 = jnp.pad(idxf.reshape(nrows).astype(jnp.int32),
                    (0, npad - nrows), constant_values=512)
    table = jnp.pad(codebook, ((0, 8), (0, 64)))
    qrows = _sc_gather(table, idx32)
    Q = qrows[:nrows].reshape(B, L3, 128)
    p1 = _dec(Q, jnp.pad(_w9(d1_w), ((0, 0), (0, 64), (0, 0))),
              d1_b.reshape(1, -1),
              _w9(dr1_w1), dr1_w2[:, :, 0, 0].T,
              _w9(dr2_w1), dr2_w2[:, :, 0, 0].T,
              _w_convt(dt1_w), dt1_b.reshape(1, -1))
    p1 = jnp.pad(p1, ((0, 0), (0, 58 * 58 - p1.shape[1]), (0, 0)))
    a4 = _d2s(p1, 58, 56, 64)
    Xt2 = _pad_flat(a4)
    p2 = _convt(Xt2, _w_convt(dt2_w), dt2_b.reshape(1, -1),
                Wp=114, relu=False, nc=4)
    xr = _d2s(p2, 114, 112, 3).transpose(0, 3, 1, 2)
    return (loss.reshape(()), xr, perp.reshape(()))

# --- scband reference (transcript-rebuilt; emitter-appended) ---
"""Pipeline reference for scband-model-5274219840279 (READ-ONLY COPY).

The authoritative reference and input builder live on the scoring server;
editing this copy changes nothing except your own understanding.
"""

import jax, jax.numpy as jnp
import numpy as np

NUM_HIDDENS = 128
NUM_RES_HIDDENS = 32
EMB_DIM = 64
NUM_EMB = 512
COMMIT = 0.25


def conv(x, w, b=None, stride=1, pad=0):
    o = jax.lax.conv_general_dilated(x, w, (stride, stride), ((pad, pad), (pad, pad)), dimension_numbers=('NCHW', 'OIHW', 'NCHW'))
    if b is not None:
        o = o + b[None, :, None, None]
    return o


def convT(x, w, b, stride=2, pad=1):
    # w is torch ConvTranspose2d layout (in, out, kH, kW); implement as lhs-dilated conv with flipped kernel
    k = w.shape[2]
    wf = jnp.transpose(jnp.flip(w, (2, 3)), (1, 0, 2, 3))
    p = k - 1 - pad
    o = jax.lax.conv_general_dilated(x, wf, (1, 1), ((p, p), (p, p)), lhs_dilation=(stride, stride), dimension_numbers=('NCHW', 'OIHW', 'NCHW'))
    return o + b[None, :, None, None]


def res_stack(x, blocks):
    for w1, w2 in blocks:
        h = jax.nn.relu(x)
        h = conv(h, w1, None, 1, 1)
        h = jax.nn.relu(h)
        h = conv(h, w2, None, 1, 0)
        x = x + h
    return jax.nn.relu(x)


def setup_inputs(seed: int = 0) -> dict:
    key = jax.random.key(seed)
    ks = jax.random.split(key, 32)

    def w(i, shape, s=0.05):
        return jax.random.normal(ks[i], shape, jnp.float32) * s

    inp = {}
    inp['x'] = jax.random.normal(ks[0], (8, 1, 224, 224), jnp.float32)
    inp['e1_w'] = w(1, (NUM_HIDDENS // 2, 1, 4, 4))
    inp['e1_b'] = w(2, (NUM_HIDDENS // 2,))
    inp['e2_w'] = w(3, (NUM_HIDDENS, NUM_HIDDENS // 2, 4, 4))
    inp['e2_b'] = w(4, (NUM_HIDDENS,))
    inp['e3_w'] = w(5, (NUM_HIDDENS, NUM_HIDDENS, 3, 3))
    inp['e3_b'] = w(6, (NUM_HIDDENS,))
    inp['er1_w1'] = w(7, (NUM_RES_HIDDENS, NUM_HIDDENS, 3, 3))
    inp['er1_w2'] = w(8, (NUM_HIDDENS, NUM_RES_HIDDENS, 1, 1))
    inp['er2_w1'] = w(9, (NUM_RES_HIDDENS, NUM_HIDDENS, 3, 3))
    inp['er2_w2'] = w(10, (NUM_HIDDENS, NUM_RES_HIDDENS, 1, 1))
    inp['pv_w'] = w(11, (EMB_DIM, NUM_HIDDENS, 1, 1))
    inp['pv_b'] = w(12, (EMB_DIM,))
    inp['codebook'] = jax.random.normal(ks[13], (NUM_EMB, EMB_DIM), jnp.float32)
    inp['d1_w'] = w(14, (NUM_HIDDENS, EMB_DIM, 3, 3))
    inp['d1_b'] = w(15, (NUM_HIDDENS,))
    inp['dr1_w1'] = w(16, (NUM_RES_HIDDENS, NUM_HIDDENS, 3, 3))
    inp['dr1_w2'] = w(17, (NUM_HIDDENS, NUM_RES_HIDDENS, 1, 1))
    inp['dr2_w1'] = w(18, (NUM_RES_HIDDENS, NUM_HIDDENS, 3, 3))
    inp['dr2_w2'] = w(19, (NUM_HIDDENS, NUM_RES_HIDDENS, 1, 1))
    inp['dt1_w'] = w(20, (NUM_HIDDENS, NUM_HIDDENS // 2, 4, 4))
    inp['dt1_b'] = w(21, (NUM_HIDDENS // 2,))
    inp['dt2_w'] = w(22, (NUM_HIDDENS // 2, 3, 4, 4))
    inp['dt2_b'] = w(23, (3,))
    return inp


def reference(x, e1_w, e1_b, e2_w, e2_b, e3_w, e3_b, er1_w1, er1_w2, er2_w1, er2_w2, pv_w, pv_b, codebook, d1_w, d1_b, dr1_w1, dr1_w2, dr2_w1, dr2_w2, dt1_w, dt1_b, dt2_w, dt2_b):
    # encoder
    h = jax.nn.relu(conv(x, e1_w, e1_b, 2, 1))
    h = jax.nn.relu(conv(h, e2_w, e2_b, 2, 1))
    h = conv(h, e3_w, e3_b, 1, 1)
    h = res_stack(h, [(er1_w1, er1_w2), (er2_w1, er2_w2)])
    # pre-vq 1x1 conv to embedding_dim
    z = conv(h, pv_w, pv_b, 1, 0)
    # vector quantizer (eval mode; EMA updates skipped as in torch eval)
    zt = jnp.transpose(z, (0, 2, 3, 1))
    flat = zt.reshape(-1, EMB_DIM)
    d = jnp.sum(flat ** 2, axis=1, keepdims=True) + jnp.sum(codebook ** 2, axis=1) - 2.0 * (flat @ codebook.T)
    idx = jnp.argmin(d, axis=1)
    enc = jax.nn.one_hot(idx, NUM_EMB, dtype=flat.dtype)
    q = (enc @ codebook).reshape(zt.shape)
    e_latent_loss = jnp.mean((jax.lax.stop_gradient(q) - zt) ** 2)
    loss = COMMIT * e_latent_loss
    q = zt + jax.lax.stop_gradient(q - zt)
    avg_probs = jnp.mean(enc, axis=0)
    perplexity = jnp.exp(-jnp.sum(avg_probs * jnp.log(avg_probs + 1e-10)))
    qn = jnp.transpose(q, (0, 3, 1, 2))
    # decoder
    h = conv(qn, d1_w, d1_b, 1, 1)
    h = res_stack(h, [(dr1_w1, dr1_w2), (dr2_w1, dr2_w2)])
    h = jax.nn.relu(convT(h, dt1_w, dt1_b, 2, 1))
    x_recon = convT(h, dt2_w, dt2_b, 2, 1)
    return (loss, x_recon, perplexity)

if __name__ == "__main__":
    import jax
    _d = setup_inputs()
    print(jax.jit(kernel)(*tuple(_d.values())))

</pallas_src>

<mosaic_0001>
#map = affine_map<(d0, d1) -> (0, 0)>
#map1 = affine_map<(d0, d1) -> (0)>
module attributes {stable_mosaic.version = 14 : i64} {
  func.func @k(%arg0: i32, %arg1: i32, %arg2: memref<520x128xf32, #tpu.memory_space<hbm>>, %arg3: memref<28672xi32, #tpu.memory_space<hbm>>, %arg4: memref<28672x128xf32, #tpu.memory_space<hbm>>, %arg5: memref<896xi32, #tpu.memory_space<vmem>>, %arg6: memref<896x128xf32, #tpu.memory_space<vmem>>, %arg7: memref<!tpu.dma_semaphore, #tpu.memory_space<semaphore_mem>>) attributes {dimension_semantics = [#tpu.dimension_semantics<core_parallel>, #tpu.dimension_semantics<subcore_parallel>], iteration_bounds = array<i64: 2, 16>, scalar_prefetch = 0 : i64, scratch_operands = 3 : i64, tpu.core_type = #tpu.core_type<sc_vector_subcore>, window_params = [{transform_indices = #map}, {transform_indices = #map1}, {transform_indices = #map}]} {
    %mul3A = arith.constant 2 : i32
    %mul3A_0 = arith.muli %arg1, %mul3A : i32
    %add3A = arith.addi %mul3A_0, %arg0 : i32
    %mul3A_1 = arith.constant 896 : i32
    %mul3A_2 = arith.muli %add3A, %mul3A_1 : i32
    "tpu.region"() ({
      %run_scoped3A = tpu.sem_alloc : memref<!tpu.dma_semaphore, #tpu.memory_space<semaphore_mem>>
      %dma_start3A_113 = tpu.memref_slice %arg3[%mul3A_2] : memref<28672xi32, #tpu.memory_space<hbm>> -> memref<896xi32, #tpu.memory_space<hbm>>
      %dma_start3A_114 = tpu.memref_slice %arg3[%mul3A_2] : memref<28672xi32, #tpu.memory_space<hbm>> -> memref<896xi32, #tpu.memory_space<hbm>>
      tpu.enqueue_dma source(%dma_start3A_114 : memref<896xi32, #tpu.memory_space<hbm>>) target(%arg5 : memref<896xi32, #tpu.memory_space<vmem>>) target_semaphore(%run_scoped3A : memref<!tpu.dma_semaphore, #tpu.memory_space<semaphore_mem>>)
      %dma_wait3A_115 = tpu.memref_slice %arg3[%mul3A_2] : memref<28672xi32, #tpu.memory_space<hbm>> -> memref<896xi32, #tpu.memory_space<hbm>>
      %dma_wait3A_116 = tpu.memref_slice %arg3[%mul3A_2] : memref<28672xi32, #tpu.memory_space<hbm>> -> memref<896xi32, #tpu.memory_space<hbm>>
      tpu.wait_dma2 semaphore(%run_scoped3A : memref<!tpu.dma_semaphore, #tpu.memory_space<semaphore_mem>>) src(%dma_wait3A_116 : memref<896xi32, #tpu.memory_space<hbm>>) dst(%arg5 : memref<896xi32, #tpu.memory_space<vmem>>)
      tpu.yield
    }) : () -> ()
    %dma_start3A = arith.constant 0 : i32
    %dma_start3A_3 = arith.constant 0 : i32
    %dma_start3A_4 = tpu.memref_slice %arg6[%dma_start3A, %dma_start3A_3] : memref<896x128xf32, #tpu.memory_space<vmem>> -> memref<128x128xf32, #tpu.memory_space<vmem>>
    %dma_start3A_5 = arith.constant 0 : i32
    %dma_start3A_6 = tpu.memref_slice %arg5[%dma_start3A_5] : memref<896xi32, #tpu.memory_space<vmem>> -> memref<128xi32, #tpu.memory_space<vmem>>
    %dma_start3A_7 = arith.constant 0 : i32
    %dma_start3A_8 = arith.constant 0 : i32
    %dma_start3A_9 = tpu.memref_slice %arg2[%dma_start3A_7, %dma_start3A_8] : memref<520x128xf32, #tpu.memory_space<hbm>> -> memref<520x128xf32, #tpu.memory_space<hbm>>
    tpu.enqueue_indirect_dma source(%dma_start3A_9 : memref<520x128xf32, #tpu.memory_space<hbm>>) target(%dma_start3A_4 : memref<128x128xf32, #tpu.memory_space<vmem>>) offsets(%dma_start3A_6 : memref<128xi32, #tpu.memory_space<vmem>>) semaphore(%arg7 : memref<!tpu.dma_semaphore, #tpu.memory_space<semaphore_mem>>)
    %dma_start3A_10 = arith.constant 128 : i32
    %dma_start3A_11 = arith.constant 0 : i32
    %dma_start3A_12 = tpu.memref_slice %arg6[%dma_start3A_10, %dma_start3A_11] : memref<896x128xf32, #tpu.memory_space<vmem>> -> memref<128x128xf32, #tpu.memory_space<vmem>>
    %dma_start3A_13 = arith.constant 128 : i32
    %dma_start3A_14 = tpu.memref_slice %arg5[%dma_start3A_13] : memref<896xi32, #tpu.memory_space<vmem>> -> memref<128xi32, #tpu.memory_space<vmem>>
    %dma_start3A_15 = arith.constant 0 : i32
    %dma_start3A_16 = arith.constant 0 : i32
    %dma_start3A_17 = tpu.memref_slice %arg2[%dma_start3A_15, %dma_start3A_16] : memref<520x128xf32, #tpu.memory_space<hbm>> -> memref<520x128xf32, #tpu.memory_space<hbm>>
    tpu.enqueue_indirect_dma source(%dma_start3A_17 : memref<520x128xf32, #tpu.memory_space<hbm>>) target(%dma_start3A_12 : memref<128x128xf32, #tpu.memory_space<vmem>>) offsets(%dma_start3A_14 : memref<128xi32, #tpu.memory_space<vmem>>) semaphore(%arg7 : memref<!tpu.dma_semaphore, #tpu.memory_space<semaphore_mem>>)
    %dma_start3A_18 = arith.constant 256 : i32
    %dma_start3A_19 = arith.constant 0 : i32
    %dma_start3A_20 = tpu.memref_slice %arg6[%dma_start3A_18, %dma_start3A_19] : memref<896x128xf32, #tpu.memory_space<vmem>> -> memref<128x128xf32, #tpu.memory_space<vmem>>
    %dma_start3A_21 = arith.constant 256 : i32
    %dma_start3A_22 = tpu.memref_slice %arg5[%dma_start3A_21] : memref<896xi32, #tpu.memory_space<vmem>> -> memref<128xi32, #tpu.memory_space<vmem>>
    %dma_start3A_23 = arith.constant 0 : i32
    %dma_start3A_24 = arith.constant 0 : i32
    %dma_start3A_25 = tpu.memref_slice %arg2[%dma_start3A_23, %dma_start3A_24] : memref<520x128xf32, #tpu.memory_space<hbm>> -> memref<520x128xf32, #tpu.memory_space<hbm>>
    tpu.enqueue_indirect_dma source(%dma_start3A_25 : memref<520x128xf32, #tpu.memory_space<hbm>>) target(%dma_start3A_20 : memref<128x128xf32, #tpu.memory_space<vmem>>) offsets(%dma_start3A_22 : memref<128xi32, #tpu.memory_space<vmem>>) semaphore(%arg7 : memref<!tpu.dma_semaphore, #tpu.memory_space<semaphore_mem>>)
    %dma_start3A_26 = arith.constant 384 : i32
    %dma_start3A_27 = arith.constant 0 : i32
    %dma_start3A_28 = tpu.memref_slice %arg6[%dma_start3A_26, %dma_start3A_27] : memref<896x128xf32, #tpu.memory_space<vmem>> -> memref<128x128xf32, #tpu.memory_space<vmem>>
    %dma_start3A_29 = arith.constant 384 : i32
    %dma_start3A_30 = tpu.memref_slice %arg5[%dma_start3A_29] : memref<896xi32, #tpu.memory_space<vmem>> -> memref<128xi32, #tpu.memory_space<vmem>>
    %dma_start3A_31 = arith.constant 0 : i32
    %dma_start3A_32 = arith.constant 0 : i32
    %dma_start3A_33 = tpu.memref_slice %arg2[%dma_start3A_31, %dma_start3A_32] : memref<520x128xf32, #tpu.memory_space<hbm>> -> memref<520x128xf32, #tpu.memory_space<hbm>>
    tpu.enqueue_indirect_dma source(%dma_start3A_33 : memref<520x128xf32, #tpu.memory_space<hbm>>) target(%dma_start3A_28 : memref<128x128xf32, #tpu.memory_space<vmem>>) offsets(%dma_start3A_30 : memref<128xi32, #tpu.memory_space<vmem>>) semaphore(%arg7 : memref<!tpu.dma_semaphore, #tpu.memory_space<semaphore_mem>>)
    %dma_start3A_34 = arith.constant 512 : i32
    %dma_start3A_35 = arith.constant 0 : i32
    %dma_start3A_36 = tpu.memref_slice %arg6[%dma_start3A_34, %dma_start3A_35] : memref<896x128xf32, #tpu.memory_space<vmem>> -> memref<128x128xf32, #tpu.memory_space<vmem>>
    %dma_start3A_37 = arith.constant 512 : i32
    %dma_start3A_38 = tpu.memref_slice %arg5[%dma_start3A_37] : memref<896xi32, #tpu.memory_space<vmem>> -> memref<128xi32, #tpu.memory_space<vmem>>
    %dma_start3A_39 = arith.constant 0 : i32
    %dma_start3A_40 = arith.constant 0 : i32
    %dma_start3A_41 = tpu.memref_slice %arg2[%dma_start3A_39, %dma_start3A_40] : memref<520x128xf32, #tpu.memory_space<hbm>> -> memref<520x128xf32, #tpu.memory_space<hbm>>
    tpu.enqueue_indirect_dma source(%dma_start3A_41 : memref<520x128xf32, #tpu.memory_space<hbm>>) target(%dma_start3A_36 : memref<128x128xf32, #tpu.memory_space<vmem>>) offsets(%dma_start3A_38 : memref<128xi32, #tpu.memory_space<vmem>>) semaphore(%arg7 : memref<!tpu.dma_semaphore, #tpu.memory_space<semaphore_mem>>)
    %dma_start3A_42 = arith.constant 640 : i32
    %dma_start3A_43 = arith.constant 0 : i32
    %dma_start3A_44 = tpu.memref_slice %arg6[%dma_start3A_42, %dma_start3A_43] : memref<896x128xf32, #tpu.memory_space<vmem>> -> memref<128x128xf32, #tpu.memory_space<vmem>>
    %dma_start3A_45 = arith.constant 640 : i32
    %dma_start3A_46 = tpu.memref_slice %arg5[%dma_start3A_45] : memref<896xi32, #tpu.memory_space<vmem>> -> memref<128xi32, #tpu.memory_space<vmem>>
    %dma_start3A_47 = arith.constant 0 : i32
    %dma_start3A_48 = arith.constant 0 : i32
    %dma_start3A_49 = tpu.memref_slice %arg2[%dma_start3A_47, %dma_start3A_48] : memref<520x128xf32, #tpu.memory_space<hbm>> -> memref<520x128xf32, #tpu.memory_space<hbm>>
    tpu.enqueue_indirect_dma source(%dma_start3A_49 : memref<520x128xf32, #tpu.memory_space<hbm>>) target(%dma_start3A_44 : memref<128x128xf32, #tpu.memory_space<vmem>>) offsets(%dma_start3A_46 : memref<128xi32, #tpu.memory_space<vmem>>) semaphore(%arg7 : memref<!tpu.dma_semaphore, #tpu.memory_space<semaphore_mem>>)
    %dma_start3A_50 = arith.constant 768 : i32
    %dma_start3A_51 = arith.constant 0 : i32
    %dma_start3A_52 = tpu.memref_slice %arg6[%dma_start3A_50, %dma_start3A_51] : memref<896x128xf32, #tpu.memory_space<vmem>> -> memref<128x128xf32, #tpu.memory_space<vmem>>
    %dma_start3A_53 = arith.constant 768 : i32
    %dma_start3A_54 = tpu.memref_slice %arg5[%dma_start3A_53] : memref<896xi32, #tpu.memory_space<vmem>> -> memref<128xi32, #tpu.memory_space<vmem>>
    %dma_start3A_55 = arith.constant 0 : i32
    %dma_start3A_56 = arith.constant 0 : i32
    %dma_start3A_57 = tpu.memref_slice %arg2[%dma_start3A_55, %dma_start3A_56] : memref<520x128xf32, #tpu.memory_space<hbm>> -> memref<520x128xf32, #tpu.memory_space<hbm>>
    tpu.enqueue_indirect_dma source(%dma_start3A_57 : memref<520x128xf32, #tpu.memory_space<hbm>>) target(%dma_start3A_52 : memref<128x128xf32, #tpu.memory_space<vmem>>) offsets(%dma_start3A_54 : memref<128xi32, #tpu.memory_space<vmem>>) semaphore(%arg7 : memref<!tpu.dma_semaphore, #tpu.memory_space<semaphore_mem>>)
    %dma_wait3A = arith.constant 0 : i32
    %dma_wait3A_58 = arith.constant 0 : i32
    %dma_wait3A_59 = tpu.memref_slice %arg6[%dma_wait3A, %dma_wait3A_58] : memref<896x128xf32, #tpu.memory_space<vmem>> -> memref<128x128xf32, #tpu.memory_space<vmem>>
    %dma_wait3A_60 = arith.constant 0 : i32
    %dma_wait3A_61 = tpu.memref_slice %arg5[%dma_wait3A_60] : memref<896xi32, #tpu.memory_space<vmem>> -> memref<128xi32, #tpu.memory_space<vmem>>
    %dma_wait3A_62 = arith.constant 0 : i32
    %dma_wait3A_63 = arith.constant 0 : i32
    %dma_wait3A_64 = tpu.memref_slice %arg2[%dma_wait3A_62, %dma_wait3A_63] : memref<520x128xf32, #tpu.memory_space<hbm>> -> memref<520x128xf32, #tpu.memory_space<hbm>>
    tpu.wait_indirect_dma semaphore(%arg7 : memref<!tpu.dma_semaphore, #tpu.memory_space<semaphore_mem>>) src(%dma_wait3A_64 : memref<520x128xf32, #tpu.memory_space<hbm>>) dst(%dma_wait3A_59 : memref<128x128xf32, #tpu.memory_space<vmem>>)
    %dma_wait3A_65 = arith.constant 128 : i32
    %dma_wait3A_66 = arith.constant 0 : i32
    %dma_wait3A_67 = tpu.memref_slice %arg6[%dma_wait3A_65, %dma_wait3A_66] : memref<896x128xf32, #tpu.memory_space<vmem>> -> memref<128x128xf32, #tpu.memory_space<vmem>>
    %dma_wait3A_68 = arith.constant 128 : i32
    %dma_wait3A_69 = tpu.memref_slice %arg5[%dma_wait3A_68] : memref<896xi32, #tpu.memory_space<vmem>> -> memref<128xi32, #tpu.memory_space<vmem>>
    %dma_wait3A_70 = arith.constant 0 : i32
    %dma_wait3A_71 = arith.constant 0 : i32
    %dma_wait3A_72 = tpu.memref_slice %arg2[%dma_wait3A_70, %dma_wait3A_71] : memref<520x128xf32, #tpu.memory_space<hbm>> -> memref<520x128xf32, #tpu.memory_space<hbm>>
    tpu.wait_indirect_dma semaphore(%arg7 : memref<!tpu.dma_semaphore, #tpu.memory_space<semaphore_mem>>) src(%dma_wait3A_72 : memref<520x128xf32, #tpu.memory_space<hbm>>) dst(%dma_wait3A_67 : memref<128x128xf32, #tpu.memory_space<vmem>>)
    %dma_wait3A_73 = arith.constant 256 : i32
    %dma_wait3A_74 = arith.constant 0 : i32
    %dma_wait3A_75 = tpu.memref_slice %arg6[%dma_wait3A_73, %dma_wait3A_74] : memref<896x128xf32, #tpu.memory_space<vmem>> -> memref<128x128xf32, #tpu.memory_space<vmem>>
    %dma_wait3A_76 = arith.constant 256 : i32
    %dma_wait3A_77 = tpu.memref_slice %arg5[%dma_wait3A_76] : memref<896xi32, #tpu.memory_space<vmem>> -> memref<128xi32, #tpu.memory_space<vmem>>
    %dma_wait3A_78 = arith.constant 0 : i32
    %dma_wait3A_79 = arith.constant 0 : i32
    %dma_wait3A_80 = tpu.memref_slice %arg2[%dma_wait3A_78, %dma_wait3A_79] : memref<520x128xf32, #tpu.memory_space<hbm>> -> memref<520x128xf32, #tpu.memory_space<hbm>>
    tpu.wait_indirect_dma semaphore(%arg7 : memref<!tpu.dma_semaphore, #tpu.memory_space<semaphore_mem>>) src(%dma_wait3A_80 : memref<520x128xf32, #tpu.memory_space<hbm>>) dst(%dma_wait3A_75 : memref<128x128xf32, #tpu.memory_space<vmem>>)
    %dma_wait3A_81 = arith.constant 384 : i32
    %dma_wait3A_82 = arith.constant 0 : i32
    %dma_wait3A_83 = tpu.memref_slice %arg6[%dma_wait3A_81, %dma_wait3A_82] : memref<896x128xf32, #tpu.memory_space<vmem>> -> memref<128x128xf32, #tpu.memory_space<vmem>>
    %dma_wait3A_84 = arith.constant 384 : i32
    %dma_wait3A_85 = tpu.memref_slice %arg5[%dma_wait3A_84] : memref<896xi32, #tpu.memory_space<vmem>> -> memref<128xi32, #tpu.memory_space<vmem>>
    %dma_wait3A_86 = arith.constant 0 : i32
    %dma_wait3A_87 = arith.constant 0 : i32
    %dma_wait3A_88 = tpu.memref_slice %arg2[%dma_wait3A_86, %dma_wait3A_87] : memref<520x128xf32, #tpu.memory_space<hbm>> -> memref<520x128xf32, #tpu.memory_space<hbm>>
    tpu.wait_indirect_dma semaphore(%arg7 : memref<!tpu.dma_semaphore, #tpu.memory_space<semaphore_mem>>) src(%dma_wait3A_88 : memref<520x128xf32, #tpu.memory_space<hbm>>) dst(%dma_wait3A_83 : memref<128x128xf32, #tpu.memory_space<vmem>>)
    %dma_wait3A_89 = arith.constant 512 : i32
    %dma_wait3A_90 = arith.constant 0 : i32
    %dma_wait3A_91 = tpu.memref_slice %arg6[%dma_wait3A_89, %dma_wait3A_90] : memref<896x128xf32, #tpu.memory_space<vmem>> -> memref<128x128xf32, #tpu.memory_space<vmem>>
    %dma_wait3A_92 = arith.constant 512 : i32
    %dma_wait3A_93 = tpu.memref_slice %arg5[%dma_wait3A_92] : memref<896xi32, #tpu.memory_space<vmem>> -> memref<128xi32, #tpu.memory_space<vmem>>
    %dma_wait3A_94 = arith.constant 0 : i32
    %dma_wait3A_95 = arith.constant 0 : i32
    %dma_wait3A_96 = tpu.memref_slice %arg2[%dma_wait3A_94, %dma_wait3A_95] : memref<520x128xf32, #tpu.memory_space<hbm>> -> memref<520x128xf32, #tpu.memory_space<hbm>>
    tpu.wait_indirect_dma semaphore(%arg7 : memref<!tpu.dma_semaphore, #tpu.memory_space<semaphore_mem>>) src(%dma_wait3A_96 : memref<520x128xf32, #tpu.memory_space<hbm>>) dst(%dma_wait3A_91 : memref<128x128xf32, #tpu.memory_space<vmem>>)
    %dma_wait3A_97 = arith.constant 640 : i32
    %dma_wait3A_98 = arith.constant 0 : i32
    %dma_wait3A_99 = tpu.memref_slice %arg6[%dma_wait3A_97, %dma_wait3A_98] : memref<896x128xf32, #tpu.memory_space<vmem>> -> memref<128x128xf32, #tpu.memory_space<vmem>>
    %dma_wait3A_100 = arith.constant 640 : i32
    %dma_wait3A_101 = tpu.memref_slice %arg5[%dma_wait3A_100] : memref<896xi32, #tpu.memory_space<vmem>> -> memref<128xi32, #tpu.memory_space<vmem>>
    %dma_wait3A_102 = arith.constant 0 : i32
    %dma_wait3A_103 = arith.constant 0 : i32
    %dma_wait3A_104 = tpu.memref_slice %arg2[%dma_wait3A_102, %dma_wait3A_103] : memref<520x128xf32, #tpu.memory_space<hbm>> -> memref<520x128xf32, #tpu.memory_space<hbm>>
    tpu.wait_indirect_dma semaphore(%arg7 : memref<!tpu.dma_semaphore, #tpu.memory_space<semaphore_mem>>) src(%dma_wait3A_104 : memref<520x128xf32, #tpu.memory_space<hbm>>) dst(%dma_wait3A_99 : memref<128x128xf32, #tpu.memory_space<vmem>>)
    %dma_wait3A_105 = arith.constant 768 : i32
    %dma_wait3A_106 = arith.constant 0 : i32
    %dma_wait3A_107 = tpu.memref_slice %arg6[%dma_wait3A_105, %dma_wait3A_106] : memref<896x128xf32, #tpu.memory_space<vmem>> -> memref<128x128xf32, #tpu.memory_space<vmem>>
    %dma_wait3A_108 = arith.constant 768 : i32
    %dma_wait3A_109 = tpu.memref_slice %arg5[%dma_wait3A_108] : memref<896xi32, #tpu.memory_space<vmem>> -> memref<128xi32, #tpu.memory_space<vmem>>
    %dma_wait3A_110 = arith.constant 0 : i32
    %dma_wait3A_111 = arith.constant 0 : i32
    %dma_wait3A_112 = tpu.memref_slice %arg2[%dma_wait3A_110, %dma_wait3A_111] : memref<520x128xf32, #tpu.memory_space<hbm>> -> memref<520x128xf32, #tpu.memory_space<hbm>>
    tpu.wait_indirect_dma semaphore(%arg7 : memref<!tpu.dma_semaphore, #tpu.memory_space<semaphore_mem>>) src(%dma_wait3A_112 : memref<520x128xf32, #tpu.memory_space<hbm>>) dst(%dma_wait3A_107 : memref<128x128xf32, #tpu.memory_space<vmem>>)
    "tpu.region"() ({
      %run_scoped3A = tpu.sem_alloc : memref<!tpu.dma_semaphore, #tpu.memory_space<semaphore_mem>>
      %dma_start3A_113 = arith.constant 0 : i32
      %dma_start3A_114 = tpu.memref_slice %arg4[%mul3A_2, %dma_start3A_113] : memref<28672x128xf32, #tpu.memory_space<hbm>> -> memref<896x128xf32, #tpu.memory_space<hbm>>
      %dma_start3A_115 = arith.constant 0 : i32
      %dma_start3A_116 = tpu.memref_slice %arg4[%mul3A_2, %dma_start3A_115] : memref<28672x128xf32, #tpu.memory_space<hbm>> -> memref<896x128xf32, #tpu.memory_space<hbm>>
      tpu.enqueue_dma source(%arg6 : memref<896x128xf32, #tpu.memory_space<vmem>>) target(%dma_start3A_116 : memref<896x128xf32, #tpu.memory_space<hbm>>) target_semaphore(%run_scoped3A : memref<!tpu.dma_semaphore, #tpu.memory_space<semaphore_mem>>)
      %dma_wait3A_117 = arith.constant 0 : i32
      %dma_wait3A_118 = tpu.memref_slice %arg4[%mul3A_2, %dma_wait3A_117] : memref<28672x128xf32, #tpu.memory_space<hbm>> -> memref<896x128xf32, #tpu.memory_space<hbm>>
      %dma_wait3A_119 = arith.constant 0 : i32
      %dma_wait3A_120 = tpu.memref_slice %arg4[%mul3A_2, %dma_wait3A_119] : memref<28672x128xf32, #tpu.memory_space<hbm>> -> memref<896x128xf32, #tpu.memory_space<hbm>>
      tpu.wait_dma2 semaphore(%run_scoped3A : memref<!tpu.dma_semaphore, #tpu.memory_space<semaphore_mem>>) src(%arg6 : memref<896x128xf32, #tpu.memory_space<vmem>>) dst(%dma_wait3A_120 : memref<896x128xf32, #tpu.memory_space<hbm>>)
      tpu.yield
    }) : () -> ()
    return
  }
}

module attributes {stable_mosaic.version = 14 : i64} {
  func.func @_s2d_conv_body(%arg0: i32, %arg1: i32, %arg2: memref<1x12920x4xf32, #tpu.memory_space<vmem>>, %arg3: memref<4x4x64xf32, #tpu.memory_space<vmem>>, %arg4: memref<1x64xf32, #tpu.memory_space<vmem>>, %arg5: memref<1x3200x64xf32, #tpu.memory_space<vmem>>) attributes {dimension_semantics = [#tpu.dimension_semantics<arbitrary>, #tpu.dimension_semantics<arbitrary>], iteration_bounds = array<i64: 8, 4>, scalar_prefetch = 0 : i64, scratch_operands = 0 : i64, tpu.core_type = #tpu.core_type<tc>, window_params = [{transform_indices = @transform_0, window_bounds = array<i64: 1, 12920, 4>}, {pipeline_mode = #tpu.pipeline_mode<synchronous>, transform_indices = @transform_1, window_bounds = array<i64: 4, 4, 64>}, {pipeline_mode = #tpu.pipeline_mode<synchronous>, transform_indices = @transform_2, window_bounds = array<i64: 1, 64>}, {transform_indices = @transform_3, window_bounds = array<i64: 1, 3200, 64>}]} {
    %mul3A = arith.constant 3200 : i32
    %mul3A_0 = arith.muli %arg1, %mul3A : i32
    %multiple_of3A = tpu.assume_multiple %mul3A_0, 8 : i32
    %get3A = arith.constant 0 : index
    %get3A_1 = arith.index_cast %multiple_of3A : i32 to index
    %get3A_2 = arith.constant 0 : index
    %get3A_3 = vector.load %arg2[%get3A, %get3A_1, %get3A_2] : memref<1x12920x4xf32, #tpu.memory_space<vmem>>, vector<1x3320x4xf32>
    %get3A_4 = vector.shape_cast %get3A_3 : vector<1x3320x4xf32> to vector<3320x4xf32>
    %slice3A = vector.extract_strided_slice %get3A_4 {offsets = [0, 0], sizes = [3200, 4], strides = [1, 1]} : vector<3320x4xf32> to vector<3200x4xf32>
    %get3A_5 = arith.constant 0 : index
    %get3A_6 = arith.constant 0 : index
    %get3A_7 = arith.constant 0 : index
    %get3A_8 = vector.load %arg3[%get3A_5, %get3A_6, %get3A_7] : memref<4x4x64xf32, #tpu.memory_space<vmem>>, vector<1x4x64xf32>
    %get3A_9 = vector.shape_cast %get3A_8 : vector<1x4x64xf32> to vector<4x64xf32>
    %dot_general3A = arith.constant dense<0.000000e+00> : vector<3200x64xf32>
    %dot_general3A_10 = tpu.matmul %slice3A, %get3A_9, %dot_general3A {dimension_numbers = #tpu.dot_dimension_numbers<[1], [0], [0], [1], [0, 0, 1, 1], [], []>, transpose_lhs_hint = false} : vector<3200x4xf32>, vector<4x64xf32>, vector<3200x64xf32> -> vector<3200x64xf32>
    %slice3A_11 = vector.extract_strided_slice %get3A_4 {offsets = [1, 0], sizes = [3200, 4], strides = [1, 1]} : vector<3320x4xf32> to vector<3200x4xf32>
    %get3A_12 = arith.constant 1 : index
    %get3A_13 = arith.constant 0 : index
    %get3A_14 = arith.constant 0 : index
    %get3A_15 = vector.load %arg3[%get3A_12, %get3A_13, %get3A_14] : memref<4x4x64xf32, #tpu.memory_space<vmem>>, vector<1x4x64xf32>
    %get3A_16 = vector.shape_cast %get3A_15 : vector<1x4x64xf32> to vector<4x64xf32>
    %dot_general3A_17 = arith.constant dense<0.000000e+00> : vector<3200x64xf32>
    %dot_general3A_18 = tpu.matmul %slice3A_11, %get3A_16, %dot_general3A_17 {dimension_numbers = #tpu.dot_dimension_numbers<[1], [0], [0], [1], [0, 0, 1, 1], [], []>, transpose_lhs_hint = false} : vector<3200x4xf32>, vector<4x64xf32>, vector<3200x64xf32> -> vector<3200x64xf32>
    %add3A = arith.addf %dot_general3A_10, %dot_general3A_18 : vector<3200x64xf32>
    %slice3A_19 = vector.extract_strided_slice %get3A_4 {offsets = [113, 0], sizes = [3200, 4], strides = [1, 1]} : vector<3320x4xf32> to vector<3200x4xf32>
    %get3A_20 = arith.constant 2 : index
    %get3A_21 = arith.constant 0 : index
    %get3A_22 = arith.constant 0 : index
    %get3A_23 = vector.load %arg3[%get3A_20, %get3A_21, %get3A_22] : memref<4x4x64xf32, #tpu.memory_space<vmem>>, vector<1x4x64xf32>
    %get3A_24 = vector.shape_cast %get3A_23 : vector<1x4x64xf32> to vector<4x64xf32>
    %dot_general3A_25 = arith.constant dense<0.000000e+00> : vector<3200x64xf32>
    %dot_general3A_26 = tpu.matmul %slice3A_19, %get3A_24, %dot_general3A_25 {dimension_numbers = #tpu.dot_dimension_numbers<[1], [0], [0], [1], [0, 0, 1, 1], [], []>, transpose_lhs_hint = false} : vector<3200x4xf32>, vector<4x64xf32>, vector<3200x64xf32> -> vector<3200x64xf32>
    %add3A_27 = arith.addf %add3A, %dot_general3A_26 : vector<3200x64xf32>
    %slice3A_28 = vector.extract_strided_slice %get3A_4 {offsets = [114, 0], sizes = [3200, 4], strides = [1, 1]} : vector<3320x4xf32> to vector<3200x4xf32>
    %get3A_29 = arith.constant 3 : index
    %get3A_30 = arith.constant 0 : index
    %get3A_31 = arith.constant 0 : index
    %get3A_32 = vector.load %arg3[%get3A_29, %get3A_30, %get3A_31] : memref<4x4x64xf32, #tpu.memory_space<vmem>>, vector<1x4x64xf32>
    %get3A_33 = vector.shape_cast %get3A_32 : vector<1x4x64xf32> to vector<4x64xf32>
    %dot_general3A_34 = arith.constant dense<0.000000e+00> : vector<3200x64xf32>
    %dot_general3A_35 = tpu.matmul %slice3A_28, %get3A_33, %dot_general3A_34 {dimension_numbers = #tpu.dot_dimension_numbers<[1], [0], [0], [1], [0, 0, 1, 1], [], []>, transpose_lhs_hint = false} : vector<3200x4xf32>, vector<4x64xf32>, vector<3200x64xf32> -> vector<3200x64xf32>
    %add3A_36 = arith.addf %add3A_27, %dot_general3A_35 : vector<3200x64xf32>
    %get3A_37 = arith.constant 0 : index
    %get3A_38 = arith.constant 0 : index
    %get3A_39 = vector.load %arg4[%get3A_37, %get3A_38] : memref<1x64xf32, #tpu.memory_space<vmem>>, vector<1x64xf32>
    %add3A_40 = vector.broadcast %get3A_39 : vector<1x64xf32> to vector<3200x64xf32>
    %add3A_41 = arith.addf %add3A_36, %add3A_40 : vector<3200x64xf32>
    %max3A = arith.constant 0.000000e+00 : f32
    %max3A_42 = vector.broadcast %max3A : f32 to vector<3200x64xf32>
    %max3A_43 = arith.maximumf %add3A_41, %max3A_42 : vector<3200x64xf32>
    %swap3A = arith.constant 0 : index
    %swap3A_44 = arith.constant 0 : index
    %swap3A_45 = arith.constant 0 : index
    %swap3A_46 = vector.load %arg5[%swap3A, %swap3A_44, %swap3A_45] : memref<1x3200x64xf32, #tpu.memory_space<vmem>>, vector<1x3200x64xf32>
    %swap3A_47 = vector.shape_cast %swap3A_46 : vector<1x3200x64xf32> to vector<3200x64xf32>
    %swap3A_48 = vector.shape_cast %max3A_43 : vector<3200x64xf32> to vector<1x3200x64xf32>
    tpu.vector_store %arg5[%swap3A, %swap3A_44, %swap3A_45], %swap3A_48 {strides = array<i32>} : memref<1x3200x64xf32, #tpu.memory_space<vmem>>, vector<1x3200x64xf32>,
    return
  }
  func.func @transform_0(%arg0: i32, %arg1: i32) -> (i32, i32, i32) {
    %c0_i32 = arith.constant 0 : i32
    %c0_i32_0 = arith.constant 0 : i32
    %c0_i32_1 = arith.constant 0 : i32
    return %arg0, %c0_i32, %c0_i32_0 : i32, i32, i32
  }
  func.func @transform_1(%arg0: i32, %arg1: i32) -> (i32, i32, i32) {
    %c0_i32 = arith.constant 0 : i32
    %c0_i32_0 = arith.constant 0 : i32
    %c0_i32_1 = arith.constant 0 : i32
    %c0_i32_2 = arith.constant 0 : i32
    return %c0_i32, %c0_i32_0, %c0_i32_1 : i32, i32, i32
  }
  func.func @transform_2(%arg0: i32, %arg1: i32) -> (i32, i32) {
    %c0_i32 = arith.constant 0 : i32
    %c0_i32_0 = arith.constant 0 : i32
    %c0_i32_1 = arith.constant 0 : i32
    return %c0_i32, %c0_i32_0 : i32, i32
  }
  func.func @transform_3(%arg0: i32, %arg1: i32) -> (i32, i32, i32) {
    %c0_i32 = arith.constant 0 : i32
    %c0_i32_0 = arith.constant 0 : i32
    return %arg0, %arg1, %c0_i32 : i32, i32, i32
  }
}

module attributes {stable_mosaic.version = 14 : i64} {
  func.func @_s2d_conv_body(%arg0: i32, %arg1: i32, %arg2: memref<1x3320x256xf32, #tpu.memory_space<vmem>>, %arg3: memref<4x256x128xf32, #tpu.memory_space<vmem>>, %arg4: memref<1x128xf32, #tpu.memory_space<vmem>>, %arg5: memref<1x3256x128xf32, #tpu.memory_space<vmem>>) attributes {dimension_semantics = [#tpu.dimension_semantics<arbitrary>, #tpu.dimension_semantics<arbitrary>], iteration_bounds = array<i64: 8, 1>, scalar_prefetch = 0 : i64, scratch_operands = 0 : i64, tpu.core_type = #tpu.core_type<tc>, window_params = [{transform_indices = @transform_0, window_bounds = array<i64: 1, 3320, 256>}, {pipeline_mode = #tpu.pipeline_mode<synchronous>, transform_indices = @transform_1, window_bounds = array<i64: 4, 256, 128>}, {pipeline_mode = #tpu.pipeline_mode<synchronous>, transform_indices = @transform_2, window_bounds = array<i64: 1, 128>}, {transform_indices = @transform_3, window_bounds = array<i64: 1, 3256, 128>}]} {
    %mul3A = arith.constant 3256 : i32
    %mul3A_0 = arith.muli %arg1, %mul3A : i32
    %multiple_of3A = tpu.assume_multiple %mul3A_0, 8 : i32
    %get3A = arith.constant 0 : index
    %get3A_1 = arith.index_cast %multiple_of3A : i32 to index
    %get3A_2 = arith.constant 0 : index
    %get3A_3 = vector.load %arg2[%get3A, %get3A_1, %get3A_2] : memref<1x3320x256xf32, #tpu.memory_space<vmem>>, vector<1x3320x256xf32>
    %get3A_4 = vector.shape_cast %get3A_3 : vector<1x3320x256xf32> to vector<3320x256xf32>
    %slice3A = vector.extract_strided_slice %get3A_4 {offsets = [0, 0], sizes = [3256, 256], strides = [1, 1]} : vector<3320x256xf32> to vector<3256x256xf32>
    %get3A_5 = arith.constant 0 : index
    %get3A_6 = arith.constant 0 : index
    %get3A_7 = arith.constant 0 : index
    %get3A_8 = vector.load %arg3[%get3A_5, %get3A_6, %get3A_7] : memref<4x256x128xf32, #tpu.memory_space<vmem>>, vector<1x256x128xf32>
    %get3A_9 = vector.shape_cast %get3A_8 : vector<1x256x128xf32> to vector<256x128xf32>
    %dot_general3A = arith.constant dense<0.000000e+00> : vector<3256x128xf32>
    %dot_general3A_10 = tpu.matmul %slice3A, %get3A_9, %dot_general3A {dimension_numbers = #tpu.dot_dimension_numbers<[1], [0], [0], [1], [0, 0, 1, 1], [], []>, transpose_lhs_hint = false} : vector<3256x256xf32>, vector<256x128xf32>, vector<3256x128xf32> -> vector<3256x128xf32>
    %slice3A_11 = vector.extract_strided_slice %get3A_4 {offsets = [1, 0], sizes = [3256, 256], strides = [1, 1]} : vector<3320x256xf32> to vector<3256x256xf32>
    %get3A_12 = arith.constant 1 : index
    %get3A_13 = arith.constant 0 : index
    %get3A_14 = arith.constant 0 : index
    %get3A_15 = vector.load %arg3[%get3A_12, %get3A_13, %get3A_14] : memref<4x256x128xf32, #tpu.memory_space<vmem>>, vector<1x256x128xf32>
    %get3A_16 = vector.shape_cast %get3A_15 : vector<1x256x128xf32> to vector<256x128xf32>
    %dot_general3A_17 = arith.constant dense<0.000000e+00> : vector<3256x128xf32>
    %dot_general3A_18 = tpu.matmul %slice3A_11, %get3A_16, %dot_general3A_17 {dimension_numbers = #tpu.dot_dimension_numbers<[1], [0], [0], [1], [0, 0, 1, 1], [], []>, transpose_lhs_hint = false} : vector<3256x256xf32>, vector<256x128xf32>, vector<3256x128xf32> -> vector<3256x128xf32>
    %add3A = arith.addf %dot_general3A_10, %dot_general3A_18 : vector<3256x128xf32>
    %slice3A_19 = vector.extract_strided_slice %get3A_4 {offsets = [57, 0], sizes = [3256, 256], strides = [1, 1]} : vector<3320x256xf32> to vector<3256x256xf32>
    %get3A_20 = arith.constant 2 : index
    %get3A_21 = arith.constant 0 : index
    %get3A_22 = arith.constant 0 : index
    %get3A_23 = vector.load %arg3[%get3A_20, %get3A_21, %get3A_22] : memref<4x256x128xf32, #tpu.memory_space<vmem>>, vector<1x256x128xf32>
    %get3A_24 = vector.shape_cast %get3A_23 : vector<1x256x128xf32> to vector<256x128xf32>
    %dot_general3A_25 = arith.constant dense<0.000000e+00> : vector<3256x128xf32>
    %dot_general3A_26 = tpu.matmul %slice3A_19, %get3A_24, %dot_general3A_25 {dimension_numbers = #tpu.dot_dimension_numbers<[1], [0], [0], [1], [0, 0, 1, 1], [], []>, transpose_lhs_hint = false} : vector<3256x256xf32>, vector<256x128xf32>, vector<3256x128xf32> -> vector<3256x128xf32>
    %add3A_27 = arith.addf %add3A, %dot_general3A_26 : vector<3256x128xf32>
    %slice3A_28 = vector.extract_strided_slice %get3A_4 {offsets = [58, 0], sizes = [3256, 256], strides = [1, 1]} : vector<3320x256xf32> to vector<3256x256xf32>
    %get3A_29 = arith.constant 3 : index
    %get3A_30 = arith.constant 0 : index
    %get3A_31 = arith.constant 0 : index
    %get3A_32 = vector.load %arg3[%get3A_29, %get3A_30, %get3A_31] : memref<4x256x128xf32, #tpu.memory_space<vmem>>, vector<1x256x128xf32>
    %get3A_33 = vector.shape_cast %get3A_32 : vector<1x256x128xf32> to vector<256x128xf32>
    %dot_general3A_34 = arith.constant dense<0.000000e+00> : vector<3256x128xf32>
    %dot_general3A_35 = tpu.matmul %slice3A_28, %get3A_33, %dot_general3A_34 {dimension_numbers = #tpu.dot_dimension_numbers<[1], [0], [0], [1], [0, 0, 1, 1], [], []>, transpose_lhs_hint = false} : vector<3256x256xf32>, vector<256x128xf32>, vector<3256x128xf32> -> vector<3256x128xf32>
    %add3A_36 = arith.addf %add3A_27, %dot_general3A_35 : vector<3256x128xf32>
    %get3A_37 = arith.constant 0 : index
    %get3A_38 = arith.constant 0 : index
    %get3A_39 = vector.load %arg4[%get3A_37, %get3A_38] : memref<1x128xf32, #tpu.memory_space<vmem>>, vector<1x128xf32>
    %add3A_40 = vector.broadcast %get3A_39 : vector<1x128xf32> to vector<3256x128xf32>
    %add3A_41 = arith.addf %add3A_36, %add3A_40 : vector<3256x128xf32>
    %max3A = arith.constant 0.000000e+00 : f32
    %max3A_42 = vector.broadcast %max3A : f32 to vector<3256x128xf32>
    %max3A_43 = arith.maximumf %add3A_41, %max3A_42 : vector<3256x128xf32>
    %swap3A = arith.constant 0 : index
    %swap3A_44 = arith.constant 0 : index
    %swap3A_45 = arith.constant 0 : index
    %swap3A_46 = vector.load %arg5[%swap3A, %swap3A_44, %swap3A_45] : memref<1x3256x128xf32, #tpu.memory_space<vmem>>, vector<1x3256x128xf32>
    %swap3A_47 = vector.shape_cast %swap3A_46 : vector<1x3256x128xf32> to vector<3256x128xf32>
    %swap3A_48 = vector.shape_cast %max3A_43 : vector<3256x128xf32> to vector<1x3256x128xf32>
    tpu.vector_store %arg5[%swap3A, %swap3A_44, %swap3A_45], %swap3A_48 {strides = array<i32>} : memref<1x3256x128xf32, #tpu.memory_space<vmem>>, vector<1x3256x128xf32>,
    return
  }
  func.func @transform_0(%arg0: i32, %arg1: i32) -> (i32, i32, i32) {
    %c0_i32 = arith.constant 0 : i32
    %c0_i32_0 = arith.constant 0 : i32
    %c0_i32_1 = arith.constant 0 : i32
    return %arg0, %c0_i32, %c0_i32_0 : i32, i32, i32
  }
  func.func @transform_1(%arg0: i32, %arg1: i32) -> (i32, i32, i32) {
    %c0_i32 = arith.constant 0 : i32
    %c0_i32_0 = arith.constant 0 : i32
    %c0_i32_1 = arith.constant 0 : i32
    %c0_i32_2 = arith.constant 0 : i32
    return %c0_i32, %c0_i32_0, %c0_i32_1 : i32, i32, i32
  }
  func.func @transform_2(%arg0: i32, %arg1: i32) -> (i32, i32) {
    %c0_i32 = arith.constant 0 : i32
    %c0_i32_0 = arith.constant 0 : i32
    %c0_i32_1 = arith.constant 0 : i32
    return %c0_i32, %c0_i32_0 : i32, i32
  }
  func.func @transform_3(%arg0: i32, %arg1: i32) -> (i32, i32, i32) {
    %c0_i32 = arith.constant 0 : i32
    %c0_i32_0 = arith.constant 0 : i32
    return %arg0, %arg1, %c0_i32 : i32, i32, i32
  }
}

module attributes {stable_mosaic.version = 14 : i64} {
  func.func @_enc_vq_body(%arg0: i32, %arg1: memref<1x3364x128xf32, #tpu.memory_space<vmem>>, %arg2: memref<9x128x128xf32, #tpu.memory_space<vmem>>, %arg3: memref<1x128xf32, #tpu.memory_space<vmem>>, %arg4: memref<9x128x32xf32, #tpu.memory_space<vmem>>, %arg5: memref<32x128xf32, #tpu.memory_space<vmem>>, %arg6: memref<9x128x32xf32, #tpu.memory_space<vmem>>, %arg7: memref<32x128xf32, #tpu.memory_space<vmem>>, %arg8: memref<128x64xf32, #tpu.memory_space<vmem>>, %arg9: memref<1x64xf32, #tpu.memory_space<vmem>>, %arg10: memref<64x512xf32, #tpu.memory_space<vmem>>, %arg11: memref<1x3246x1xf32, #tpu.memory_space<vmem>>, %arg12: memref<1x1xf32, #tpu.memory_space<vmem>>, %arg13: memref<1x1xf32, #tpu.memory_space<vmem>>, %arg14: memref<1x512xf32, #tpu.memory_space<vmem>>, %arg15: memref<1xf32, #tpu.memory_space<smem>>) attributes {dimension_semantics = [#tpu.dimension_semantics<arbitrary>], iteration_bounds = array<i64: 8>, scalar_prefetch = 0 : i64, scratch_operands = 2 : i64, tpu.core_type = #tpu.core_type<tc>, window_params = [{transform_indices = @transform_0, window_bounds = array<i64: 1, 3364, 128>}, {pipeline_mode = #tpu.pipeline_mode<synchronous>, transform_indices = @transform_1, window_bounds = array<i64: 9, 128, 128>}, {pipeline_mode = #tpu.pipeline_mode<synchronous>, transform_indices = @transform_2, window_bounds = array<i64: 1, 128>}, {pipeline_mode = #tpu.pipeline_mode<synchronous>, transform_indices = @transform_3, window_bounds = array<i64: 9, 128, 32>}, {pipeline_mode = #tpu.pipeline_mode<synchronous>, transform_indices = @transform_4, window_bounds = array<i64: 32, 128>}, {pipeline_mode = #tpu.pipeline_mode<synchronous>, transform_indices = @transform_5, window_bounds = array<i64: 9, 128, 32>}, {pipeline_mode = #tpu.pipeline_mode<synchronous>, transform_indices = @transform_6, window_bounds = array<i64: 32, 128>}, {pipeline_mode = #tpu.pipeline_mode<synchronous>, transform_indices = @transform_7, window_bounds = array<i64: 128, 64>}, {pipeline_mode = #tpu.pipeline_mode<synchronous>, transform_indices = @transform_8, window_bounds = array<i64: 1, 64>}, {pipeline_mode = #tpu.pipeline_mode<synchronous>, transform_indices = @transform_9, window_bounds = array<i64: 64, 512>}, {transform_indices = @transform_10, window_bounds = array<i64: 1, 3246, 1>}, {pipeline_mode = #tpu.pipeline_mode<synchronous>, transform_indices = @transform_11, window_bounds = array<i64: 1, 1>}, {pipeline_mode = #tpu.pipeline_mode<synchronous>, transform_indices = @transform_12, window_bounds = array<i64: 1, 1>}]} {
    %iota3A = tpu.iota {dimensions = array<i32: 0>} : vector<3246x1xi32>
    %add3A = arith.constant 59 : i32
    %add3A_0 = vector.broadcast %add3A : i32 to vector<3246x1xi32>
    %add3A_1 = arith.addi %iota3A, %add3A_0 : vector<3246x1xi32>
    %jit3A = arith.constant 58 : i32
    %eq3A = arith.constant 0 : i32
    %eq3A_2 = arith.cmpi eq, %jit3A, %eq3A : i32
    %jit3A_3 = arith.constant 1 : i32
    %select_n3A = arith.select %eq3A_2, %jit3A_3, %jit3A : i32
    %rem3A = vector.broadcast %select_n3A : i32 to vector<3246x1xi32>
    %rem3A_4 = arith.remsi %add3A_1, %rem3A : vector<3246x1xi32>
    %ne3A = arith.constant 0 : i32
    %ne3A_5 = vector.broadcast %ne3A : i32 to vector<3246x1xi32>
    %ne3A_6 = arith.cmpi ne, %rem3A_4, %ne3A_5 : vector<3246x1xi32>
    %lt3A = arith.constant 0 : i32
    %lt3A_7 = vector.broadcast %lt3A : i32 to vector<3246x1xi32>
    %lt3A_8 = arith.cmpi slt, %rem3A_4, %lt3A_7 : vector<3246x1xi32>
    %lt3A_9 = arith.constant 0 : i32
    %lt3A_10 = arith.cmpi slt, %select_n3A, %lt3A_9 : i32
    %ne3A_11 = vector.broadcast %lt3A_10 : i1 to vector<3246x1xi1>
    %ne3A_12 = vector.broadcast %ne3A_11 : vector<3246x1xi1> to vector<3246x1xi1>
    %ne3A_13 = arith.xori %lt3A_8, %ne3A_12 : vector<3246x1xi1>
    %and3A = arith.andi %ne3A_13, %ne3A_6 : vector<3246x1xi1>
    %add3A_14 = vector.broadcast %select_n3A : i32 to vector<3246x1xi32>
    %add3A_15 = arith.addi %rem3A_4, %add3A_14 : vector<3246x1xi32>
    %select_n3A_16 = arith.select %and3A, %add3A_15, %rem3A_4 : vector<3246x1xi1>, vector<3246x1xi32>
    %ge3A = arith.constant 1 : i32
    %ge3A_17 = vector.broadcast %ge3A : i32 to vector<3246x1xi32>
    %ge3A_18 = arith.cmpi sge, %select_n3A_16, %ge3A_17 : vector<3246x1xi32>
    %le3A = arith.constant 56 : i32
    %le3A_19 = vector.broadcast %le3A : i32 to vector<3246x1xi32>
    %le3A_20 = arith.cmpi sle, %select_n3A_16, %le3A_19 : vector<3246x1xi32>
    %and3A_21 = arith.andi %ge3A_18, %le3A_20 : vector<3246x1xi1>
    %convert_element_type3A = arith.extui %and3A_21 : vector<3246x1xi1> to vector<3246x1xi32>
    %convert_element_type3A_22 = arith.sitofp %convert_element_type3A : vector<3246x1xi32> to vector<3246x1xf32>
    %get3A = arith.constant 0 : index
    %get3A_23 = arith.constant 0 : index
    %get3A_24 = arith.constant 0 : index
    %get3A_25 = vector.load %arg1[%get3A, %get3A_23, %get3A_24] : memref<1x3364x128xf32, #tpu.memory_space<vmem>>, vector<1x3364x128xf32>
    %get3A_26 = vector.shape_cast %get3A_25 : vector<1x3364x128xf32> to vector<3364x128xf32>
    %slice3A = vector.extract_strided_slice %get3A_26 {offsets = [0, 0], sizes = [3246, 128], strides = [1, 1]} : vector<3364x128xf32> to vector<3246x128xf32>
    %get3A_27 = arith.constant 0 : index
    %get3A_28 = arith.constant 0 : index
    %get3A_29 = arith.constant 0 : index
    %get3A_30 = vector.load %arg2[%get3A_27, %get3A_28, %get3A_29] : memref<9x128x128xf32, #tpu.memory_space<vmem>>, vector<1x128x128xf32>
    %get3A_31 = vector.shape_cast %get3A_30 : vector<1x128x128xf32> to vector<128x128xf32>
    %dot_general3A = arith.constant dense<0.000000e+00> : vector<3246x128xf32>
    %dot_general3A_32 = tpu.matmul %slice3A, %get3A_31, %dot_general3A {dimension_numbers = #tpu.dot_dimension_numbers<[1], [0], [0], [1], [0, 0, 1, 1], [], []>, transpose_lhs_hint = false} : vector<3246x128xf32>, vector<128x128xf32>, vector<3246x128xf32> -> vector<3246x128xf32>
    %slice3A_33 = vector.extract_strided_slice %get3A_26 {offsets = [1, 0], sizes = [3246, 128], strides = [1, 1]} : vector<3364x128xf32> to vector<3246x128xf32>
    %get3A_34 = arith.constant 1 : index
    %get3A_35 = arith.constant 0 : index
    %get3A_36 = arith.constant 0 : index
    %get3A_37 = vector.load %arg2[%get3A_34, %get3A_35, %get3A_36] : memref<9x128x128xf32, #tpu.memory_space<vmem>>, vector<1x128x128xf32>
    %get3A_38 = vector.shape_cast %get3A_37 : vector<1x128x128xf32> to vector<128x128xf32>
    %dot_general3A_39 = arith.constant dense<0.000000e+00> : vector<3246x128xf32>
    %dot_general3A_40 = tpu.matmul %slice3A_33, %get3A_38, %dot_general3A_39 {dimension_numbers = #tpu.dot_dimension_numbers<[1], [0], [0], [1], [0, 0, 1, 1], [], []>, transpose_lhs_hint = false} : vector<3246x128xf32>, vector<128x128xf32>, vector<3246x128xf32> -> vector<3246x128xf32>
    %add3A_41 = arith.addf %dot_general3A_32, %dot_general3A_40 : vector<3246x128xf32>
    %slice3A_42 = vector.extract_strided_slice %get3A_26 {offsets = [2, 0], sizes = [3246, 128], strides = [1, 1]} : vector<3364x128xf32> to vector<3246x128xf32>
    %get3A_43 = arith.constant 2 : index
    %get3A_44 = arith.constant 0 : index
    %get3A_45 = arith.constant 0 : index
    %get3A_46 = vector.load %arg2[%get3A_43, %get3A_44, %get3A_45] : memref<9x128x128xf32, #tpu.memory_space<vmem>>, vector<1x128x128xf32>
    %get3A_47 = vector.shape_cast %get3A_46 : vector<1x128x128xf32> to vector<128x128xf32>
    %dot_general3A_48 = arith.constant dense<0.000000e+00> : vector<3246x128xf32>
    %dot_general3A_49 = tpu.matmul %slice3A_42, %get3A_47, %dot_general3A_48 {dimension_numbers = #tpu.dot_dimension_numbers<[1], [0], [0], [1], [0, 0, 1, 1], [], []>, transpose_lhs_hint = false} : vector<3246x128xf32>, vector<128x128xf32>, vector<3246x128xf32> -> vector<3246x128xf32>
    %add3A_50 = arith.addf %add3A_41, %dot_general3A_49 : vector<3246x128xf32>
    %slice3A_51 = vector.extract_strided_slice %get3A_26 {offsets = [58, 0], sizes = [3246, 128], strides = [1, 1]} : vector<3364x128xf32> to vector<3246x128xf32>
    %get3A_52 = arith.constant 3 : index
    %get3A_53 = arith.constant 0 : index
    %get3A_54 = arith.constant 0 : index
    %get3A_55 = vector.load %arg2[%get3A_52, %get3A_53, %get3A_54] : memref<9x128x128xf32, #tpu.memory_space<vmem>>, vector<1x128x128xf32>
    %get3A_56 = vector.shape_cast %get3A_55 : vector<1x128x128xf32> to vector<128x128xf32>
    %dot_general3A_57 = arith.constant dense<0.000000e+00> : vector<3246x128xf32>
    %dot_general3A_58 = tpu.matmul %slice3A_51, %get3A_56, %dot_general3A_57 {dimension_numbers = #tpu.dot_dimension_numbers<[1], [0], [0], [1], [0, 0, 1, 1], [], []>, transpose_lhs_hint = false} : vector<3246x128xf32>, vector<128x128xf32>, vector<3246x128xf32> -> vector<3246x128xf32>
    %add3A_59 = arith.addf %add3A_50, %dot_general3A_58 : vector<3246x128xf32>
    %slice3A_60 = vector.extract_strided_slice %get3A_26 {offsets = [59, 0], sizes = [3246, 128], strides = [1, 1]} : vector<3364x128xf32> to vector<3246x128xf32>
    %get3A_61 = arith.constant 4 : index
    %get3A_62 = arith.constant 0 : index
    %get3A_63 = arith.constant 0 : index
    %get3A_64 = vector.load %arg2[%get3A_61, %get3A_62, %get3A_63] : memref<9x128x128xf32, #tpu.memory_space<vmem>>, vector<1x128x128xf32>
    %get3A_65 = vector.shape_cast %get3A_64 : vector<1x128x128xf32> to vector<128x128xf32>
    %dot_general3A_66 = arith.constant dense<0.000000e+00> : vector<3246x128xf32>
    %dot_general3A_67 = tpu.matmul %slice3A_60, %get3A_65, %dot_general3A_66 {dimension_numbers = #tpu.dot_dimension_numbers<[1], [0], [0], [1], [0, 0, 1, 1], [], []>, transpose_lhs_hint = false} : vector<3246x128xf32>, vector<128x128xf32>, vector<3246x128xf32> -> vector<3246x128xf32>
    %add3A_68 = arith.addf %add3A_59, %dot_general3A_67 : vector<3246x128xf32>
    %slice3A_69 = vector.extract_strided_slice %get3A_26 {offsets = [60, 0], sizes = [3246, 128], strides = [1, 1]} : vector<3364x128xf32> to vector<3246x128xf32>
    %get3A_70 = arith.constant 5 : index
    %get3A_71 = arith.constant 0 : index
    %get3A_72 = arith.constant 0 : index
    %get3A_73 = vector.load %arg2[%get3A_70, %get3A_71, %get3A_72] : memref<9x128x128xf32, #tpu.memory_space<vmem>>, vector<1x128x128xf32>
    %get3A_74 = vector.shape_cast %get3A_73 : vector<1x128x128xf32> to vector<128x128xf32>
    %dot_general3A_75 = arith.constant dense<0.000000e+00> : vector<3246x128xf32>
    %dot_general3A_76 = tpu.matmul %slice3A_69, %get3A_74, %dot_general3A_75 {dimension_numbers = #tpu.dot_dimension_numbers<[1], [0], [0], [1], [0, 0, 1, 1], [], []>, transpose_lhs_hint = false} : vector<3246x128xf32>, vector<128x128xf32>, vector<3246x128xf32> -> vector<3246x128xf32>
    %add3A_77 = arith.addf %add3A_68, %dot_general3A_76 : vector<3246x128xf32>
    %slice3A_78 = vector.extract_strided_slice %get3A_26 {offsets = [116, 0], sizes = [3246, 128], strides = [1, 1]} : vector<3364x128xf32> to vector<3246x128xf32>
    %get3A_79 = arith.constant 6 : index
    %get3A_80 = arith.constant 0 : index
    %get3A_81 = arith.constant 0 : index
    %get3A_82 = vector.load %arg2[%get3A_79, %get3A_80, %get3A_81] : memref<9x128x128xf32, #tpu.memory_space<vmem>>, vector<1x128x128xf32>
    %get3A_83 = vector.shape_cast %get3A_82 : vector<1x128x128xf32> to vector<128x128xf32>
    %dot_general3A_84 = arith.constant dense<0.000000e+00> : vector<3246x128xf32>
    %dot_general3A_85 = tpu.matmul %slice3A_78, %get3A_83, %dot_general3A_84 {dimension_numbers = #tpu.dot_dimension_numbers<[1], [0], [0], [1], [0, 0, 1, 1], [], []>, transpose_lhs_hint = false} : vector<3246x128xf32>, vector<128x128xf32>, vector<3246x128xf32> -> vector<3246x128xf32>
    %add3A_86 = arith.addf %add3A_77, %dot_general3A_85 : vector<3246x128xf32>
    %slice3A_87 = vector.extract_strided_slice %get3A_26 {offsets = [117, 0], sizes = [3246, 128], strides = [1, 1]} : vector<3364x128xf32> to vector<3246x128xf32>
    %get3A_88 = arith.constant 7 : index
    %get3A_89 = arith.constant 0 : index
    %get3A_90 = arith.constant 0 : index
    %get3A_91 = vector.load %arg2[%get3A_88, %get3A_89, %get3A_90] : memref<9x128x128xf32, #tpu.memory_space<vmem>>, vector<1x128x128xf32>
    %get3A_92 = vector.shape_cast %get3A_91 : vector<1x128x128xf32> to vector<128x128xf32>
    %dot_general3A_93 = arith.constant dense<0.000000e+00> : vector<3246x128xf32>
    %dot_general3A_94 = tpu.matmul %slice3A_87, %get3A_92, %dot_general3A_93 {dimension_numbers = #tpu.dot_dimension_numbers<[1], [0], [0], [1], [0, 0, 1, 1], [], []>, transpose_lhs_hint = false} : vector<3246x128xf32>, vector<128x128xf32>, vector<3246x128xf32> -> vector<3246x128xf32>
    %add3A_95 = arith.addf %add3A_86, %dot_general3A_94 : vector<3246x128xf32>
    %slice3A_96 = vector.extract_strided_slice %get3A_26 {offsets = [118, 0], sizes = [3246, 128], strides = [1, 1]} : vector<3364x128xf32> to vector<3246x128xf32>
    %get3A_97 = arith.constant 8 : index
    %get3A_98 = arith.constant 0 : index
    %get3A_99 = arith.constant 0 : index
    %get3A_100 = vector.load %arg2[%get3A_97, %get3A_98, %get3A_99] : memref<9x128x128xf32, #tpu.memory_space<vmem>>, vector<1x128x128xf32>
    %get3A_101 = vector.shape_cast %get3A_100 : vector<1x128x128xf32> to vector<128x128xf32>
    %dot_general3A_102 = arith.constant dense<0.000000e+00> : vector<3246x128xf32>
    %dot_general3A_103 = tpu.matmul %slice3A_96, %get3A_101, %dot_general3A_102 {dimension_numbers = #tpu.dot_dimension_numbers<[1], [0], [0], [1], [0, 0, 1, 1], [], []>, transpose_lhs_hint = false} : vector<3246x128xf32>, vector<128x128xf32>, vector<3246x128xf32> -> vector<3246x128xf32>
    %add3A_104 = arith.addf %add3A_95, %dot_general3A_103 : vector<3246x128xf32>
    %get3A_105 = arith.constant 0 : index
    %get3A_106 = arith.constant 0 : index
    %get3A_107 = vector.load %arg3[%get3A_105, %get3A_106] : memref<1x128xf32, #tpu.memory_space<vmem>>, vector<1x128xf32>
    %add3A_108 = vector.broadcast %get3A_107 : vector<1x128xf32> to vector<3246x128xf32>
    %add3A_109 = arith.addf %add3A_104, %add3A_108 : vector<3246x128xf32>
    %mul3A = vector.broadcast %convert_element_type3A_22 : vector<3246x1xf32> to vector<3246x128xf32>
    %mul3A_110 = arith.mulf %add3A_109, %mul3A : vector<3246x128xf32>
    %broadcast_in_dim3A = arith.constant 0.000000e+00 : f32
    %broadcast_in_dim3A_111 = vector.broadcast %broadcast_in_dim3A : f32 to vector<59x128xf32>
    %concatenate3A = tpu.concatenate %broadcast_in_dim3A_111, %mul3A_110, %broadcast_in_dim3A_111 in 0 : vector<59x128xf32>, vector<3246x128xf32>, vector<59x128xf32> -> vector<3364x128xf32>
    %max3A = arith.constant 0.000000e+00 : f32
    %max3A_112 = vector.broadcast %max3A : f32 to vector<3364x128xf32>
    %max3A_113 = arith.maximumf %concatenate3A, %max3A_112 : vector<3364x128xf32>
    %slice3A_114 = vector.extract_strided_slice %max3A_113 {offsets = [0, 0], sizes = [3246, 128], strides = [1, 1]} : vector<3364x128xf32> to vector<3246x128xf32>
    %get3A_115 = arith.constant 0 : index
    %get3A_116 = arith.constant 0 : index
    %get3A_117 = arith.constant 0 : index
    %get3A_118 = vector.load %arg4[%get3A_115, %get3A_116, %get3A_117] : memref<9x128x32xf32, #tpu.memory_space<vmem>>, vector<1x128x32xf32>
    %get3A_119 = vector.shape_cast %get3A_118 : vector<1x128x32xf32> to vector<128x32xf32>
    %dot_general3A_120 = arith.constant dense<0.000000e+00> : vector<3246x32xf32>
    %dot_general3A_121 = tpu.matmul %slice3A_114, %get3A_119, %dot_general3A_120 {dimension_numbers = #tpu.dot_dimension_numbers<[1], [0], [0], [1], [0, 0, 1, 1], [], []>, transpose_lhs_hint = false} : vector<3246x128xf32>, vector<128x32xf32>, vector<3246x32xf32> -> vector<3246x32xf32>
    %slice3A_122 = vector.extract_strided_slice %max3A_113 {offsets = [1, 0], sizes = [3246, 128], strides = [1, 1]} : vector<3364x128xf32> to vector<3246x128xf32>
    %get3A_123 = arith.constant 1 : index
    %get3A_124 = arith.constant 0 : index
    %get3A_125 = arith.constant 0 : index
    %get3A_126 = vector.load %arg4[%get3A_123, %get3A_124, %get3A_125] : memref<9x128x32xf32, #tpu.memory_space<vmem>>, vector<1x128x32xf32>
    %get3A_127 = vector.shape_cast %get3A_126 : vector<1x128x32xf32> to vector<128x32xf32>
    %dot_general3A_128 = arith.constant dense<0.000000e+00> : vector<3246x32xf32>
    %dot_general3A_129 = tpu.matmul %slice3A_122, %get3A_127, %dot_general3A_128 {dimension_numbers = #tpu.dot_dimension_numbers<[1], [0], [0], [1], [0, 0, 1, 1], [], []>, transpose_lhs_hint = false} : vector<3246x128xf32>, vector<128x32xf32>, vector<3246x32xf32> -> vector<3246x32xf32>
    %add3A_130 = arith.addf %dot_general3A_121, %dot_general3A_129 : vector<3246x32xf32>
    %slice3A_131 = vector.extract_strided_slice %max3A_113 {offsets = [2, 0], sizes = [3246, 128], strides = [1, 1]} : vector<3364x128xf32> to vector<3246x128xf32>
    %get3A_132 = arith.constant 2 : index
    %get3A_133 = arith.constant 0 : index
    %get3A_134 = arith.constant 0 : index
    %get3A_135 = vector.load %arg4[%get3A_132, %get3A_133, %get3A_134] : memref<9x128x32xf32, #tpu.memory_space<vmem>>, vector<1x128x32xf32>
    %get3A_136 = vector.shape_cast %get3A_135 : vector<1x128x32xf32> to vector<128x32xf32>
    %dot_general3A_137 = arith.constant dense<0.000000e+00> : vector<3246x32xf32>
    %dot_general3A_138 = tpu.matmul %slice3A_131, %get3A_136, %dot_general3A_137 {dimension_numbers = #tpu.dot_dimension_numbers<[1], [0], [0], [1], [0, 0, 1, 1], [], []>, transpose_lhs_hint = false} : vector<3246x128xf32>, vector<128x32xf32>, vector<3246x32xf32> -> vector<3246x32xf32>
    %add3A_139 = arith.addf %add3A_130, %dot_general3A_138 : vector<3246x32xf32>
    %slice3A_140 = vector.extract_strided_slice %max3A_113 {offsets = [58, 0], sizes = [3246, 128], strides = [1, 1]} : vector<3364x128xf32> to vector<3246x128xf32>
    %get3A_141 = arith.constant 3 : index
    %get3A_142 = arith.constant 0 : index
    %get3A_143 = arith.constant 0 : index
    %get3A_144 = vector.load %arg4[%get3A_141, %get3A_142, %get3A_143] : memref<9x128x32xf32, #tpu.memory_space<vmem>>, vector<1x128x32xf32>
    %get3A_145 = vector.shape_cast %get3A_144 : vector<1x128x32xf32> to vector<128x32xf32>
    %dot_general3A_146 = arith.constant dense<0.000000e+00> : vector<3246x32xf32>
    %dot_general3A_147 = tpu.matmul %slice3A_140, %get3A_145, %dot_general3A_146 {dimension_numbers = #tpu.dot_dimension_numbers<[1], [0], [0], [1], [0, 0, 1, 1], [], []>, transpose_lhs_hint = false} : vector<3246x128xf32>, vector<128x32xf32>, vector<3246x32xf32> -> vector<3246x32xf32>
    %add3A_148 = arith.addf %add3A_139, %dot_general3A_147 : vector<3246x32xf32>
    %slice3A_149 = vector.extract_strided_slice %max3A_113 {offsets = [59, 0], sizes = [3246, 128], strides = [1, 1]} : vector<3364x128xf32> to vector<3246x128xf32>
    %get3A_150 = arith.constant 4 : index
    %get3A_151 = arith.constant 0 : index
    %get3A_152 = arith.constant 0 : index
    %get3A_153 = vector.load %arg4[%get3A_150, %get3A_151, %get3A_152] : memref<9x128x32xf32, #tpu.memory_space<vmem>>, vector<1x128x32xf32>
    %get3A_154 = vector.shape_cast %get3A_153 : vector<1x128x32xf32> to vector<128x32xf32>
    %dot_general3A_155 = arith.constant dense<0.000000e+00> : vector<3246x32xf32>
    %dot_general3A_156 = tpu.matmul %slice3A_149, %get3A_154, %dot_general3A_155 {dimension_numbers = #tpu.dot_dimension_numbers<[1], [0], [0], [1], [0, 0, 1, 1], [], []>, transpose_lhs_hint = false} : vector<3246x128xf32>, vector<128x32xf32>, vector<3246x32xf32> -> vector<3246x32xf32>
    %add3A_157 = arith.addf %add3A_148, %dot_general3A_156 : vector<3246x32xf32>
    %slice3A_158 = vector.extract_strided_slice %max3A_113 {offsets = [60, 0], sizes = [3246, 128], strides = [1, 1]} : vector<3364x128xf32> to vector<3246x128xf32>
    %get3A_159 = arith.constant 5 : index
    %get3A_160 = arith.constant 0 : index
    %get3A_161 = arith.constant 0 : index
    %get3A_162 = vector.load %arg4[%get3A_159, %get3A_160, %get3A_161] : memref<9x128x32xf32, #tpu.memory_space<vmem>>, vector<1x128x32xf32>
    %get3A_163 = vector.shape_cast %get3A_162 : vector<1x128x32xf32> to vector<128x32xf32>
    %dot_general3A_164 = arith.constant dense<0.000000e+00> : vector<3246x32xf32>
    %dot_general3A_165 = tpu.matmul %slice3A_158, %get3A_163, %dot_general3A_164 {dimension_numbers = #tpu.dot_dimension_numbers<[1], [0], [0], [1], [0, 0, 1, 1], [], []>, transpose_lhs_hint = false} : vector<3246x128xf32>, vector<128x32xf32>, vector<3246x32xf32> -> vector<3246x32xf32>
    %add3A_166 = arith.addf %add3A_157, %dot_general3A_165 : vector<3246x32xf32>
    %slice3A_167 = vector.extract_strided_slice %max3A_113 {offsets = [116, 0], sizes = [3246, 128], strides = [1, 1]} : vector<3364x128xf32> to vector<3246x128xf32>
    %get3A_168 = arith.constant 6 : index
    %get3A_169 = arith.constant 0 : index
    %get3A_170 = arith.constant 0 : index
    %get3A_171 = vector.load %arg4[%get3A_168, %get3A_169, %get3A_170] : memref<9x128x32xf32, #tpu.memory_space<vmem>>, vector<1x128x32xf32>
    %get3A_172 = vector.shape_cast %get3A_171 : vector<1x128x32xf32> to vector<128x32xf32>
    %dot_general3A_173 = arith.constant dense<0.000000e+00> : vector<3246x32xf32>
    %dot_general3A_174 = tpu.matmul %slice3A_167, %get3A_172, %dot_general3A_173 {dimension_numbers = #tpu.dot_dimension_numbers<[1], [0], [0], [1], [0, 0, 1, 1], [], []>, transpose_lhs_hint = false} : vector<3246x128xf32>, vector<128x32xf32>, vector<3246x32xf32> -> vector<3246x32xf32>
    %add3A_175 = arith.addf %add3A_166, %dot_general3A_174 : vector<3246x32xf32>
    %slice3A_176 = vector.extract_strided_slice %max3A_113 {offsets = [117, 0], sizes = [3246, 128], strides = [1, 1]} : vector<3364x128xf32> to vector<3246x128xf32>
    %get3A_177 = arith.constant 7 : index
    %get3A_178 = arith.constant 0 : index
    %get3A_179 = arith.constant 0 : index
    %get3A_180 = vector.load %arg4[%get3A_177, %get3A_178, %get3A_179] : memref<9x128x32xf32, #tpu.memory_space<vmem>>, vector<1x128x32xf32>
    %get3A_181 = vector.shape_cast %get3A_180 : vector<1x128x32xf32> to vector<128x32xf32>
    %dot_general3A_182 = arith.constant dense<0.000000e+00> : vector<3246x32xf32>
    %dot_general3A_183 = tpu.matmul %slice3A_176, %get3A_181, %dot_general3A_182 {dimension_numbers = #tpu.dot_dimension_numbers<[1], [0], [0], [1], [0, 0, 1, 1], [], []>, transpose_lhs_hint = false} : vector<3246x128xf32>, vector<128x32xf32>, vector<3246x32xf32> -> vector<3246x32xf32>
    %add3A_184 = arith.addf %add3A_175, %dot_general3A_183 : vector<3246x32xf32>
    %slice3A_185 = vector.extract_strided_slice %max3A_113 {offsets = [118, 0], sizes = [3246, 128], strides = [1, 1]} : vector<3364x128xf32> to vector<3246x128xf32>
    %get3A_186 = arith.constant 8 : index
    %get3A_187 = arith.constant 0 : index
    %get3A_188 = arith.constant 0 : index
    %get3A_189 = vector.load %arg4[%get3A_186, %get3A_187, %get3A_188] : memref<9x128x32xf32, #tpu.memory_space<vmem>>, vector<1x128x32xf32>
    %get3A_190 = vector.shape_cast %get3A_189 : vector<1x128x32xf32> to vector<128x32xf32>
    %dot_general3A_191 = arith.constant dense<0.000000e+00> : vector<3246x32xf32>
    %dot_general3A_192 = tpu.matmul %slice3A_185, %get3A_190, %dot_general3A_191 {dimension_numbers = #tpu.dot_dimension_numbers<[1], [0], [0], [1], [0, 0, 1, 1], [], []>, transpose_lhs_hint = false} : vector<3246x128xf32>, vector<128x32xf32>, vector<3246x32xf32> -> vector<3246x32xf32>
    %add3A_193 = arith.addf %add3A_184, %dot_general3A_192 : vector<3246x32xf32>
    %max3A_194 = arith.constant 0.000000e+00 : f32
    %max3A_195 = vector.broadcast %max3A_194 : f32 to vector<3246x32xf32>
    %max3A_196 = arith.maximumf %add3A_193, %max3A_195 : vector<3246x32xf32>
    %get3A_197 = arith.constant 0 : index
    %get3A_198 = arith.constant 0 : index
    %get3A_199 = vector.load %arg5[%get3A_197, %get3A_198] : memref<32x128xf32, #tpu.memory_space<vmem>>, vector<32x128xf32>
    %dot_general3A_200 = arith.constant dense<0.000000e+00> : vector<3246x128xf32>
    %dot_general3A_201 = tpu.matmul %max3A_196, %get3A_199, %dot_general3A_200 {dimension_numbers = #tpu.dot_dimension_numbers<[1], [0], [0], [1], [0, 0, 1, 1], [], []>, transpose_lhs_hint = false} : vector<3246x32xf32>, vector<32x128xf32>, vector<3246x128xf32> -> vector<3246x128xf32>
    %add3A_202 = arith.addf %mul3A_110, %dot_general3A_201 : vector<3246x128xf32>
    %mul3A_203 = vector.broadcast %convert_element_type3A_22 : vector<3246x1xf32> to vector<3246x128xf32>
    %mul3A_204 = arith.mulf %add3A_202, %mul3A_203 : vector<3246x128xf32>
    %concatenate3A_205 = tpu.concatenate %broadcast_in_dim3A_111, %mul3A_204, %broadcast_in_dim3A_111 in 0 : vector<59x128xf32>, vector<3246x128xf32>, vector<59x128xf32> -> vector<3364x128xf32>
    %max3A_206 = arith.constant 0.000000e+00 : f32
    %max3A_207 = vector.broadcast %max3A_206 : f32 to vector<3364x128xf32>
    %max3A_208 = arith.maximumf %concatenate3A_205, %max3A_207 : vector<3364x128xf32>
    %slice3A_209 = vector.extract_strided_slice %max3A_208 {offsets = [0, 0], sizes = [3246, 128], strides = [1, 1]} : vector<3364x128xf32> to vector<3246x128xf32>
    %get3A_210 = arith.constant 0 : index
    %get3A_211 = arith.constant 0 : index
    %get3A_212 = arith.constant 0 : index
    %get3A_213 = vector.load %arg6[%get3A_210, %get3A_211, %get3A_212] : memref<9x128x32xf32, #tpu.memory_space<vmem>>, vector<1x128x32xf32>
    %get3A_214 = vector.shape_cast %get3A_213 : vector<1x128x32xf32> to vector<128x32xf32>
    %dot_general3A_215 = arith.constant dense<0.000000e+00> : vector<3246x32xf32>
    %dot_general3A_216 = tpu.matmul %slice3A_209, %get3A_214, %dot_general3A_215 {dimension_numbers = #tpu.dot_dimension_numbers<[1], [0], [0], [1], [0, 0, 1, 1], [], []>, transpose_lhs_hint = false} : vector<3246x128xf32>, vector<128x32xf32>, vector<3246x32xf32> -> vector<3246x32xf32>
    %slice3A_217 = vector.extract_strided_slice %max3A_208 {offsets = [1, 0], sizes = [3246, 128], strides = [1, 1]} : vector<3364x128xf32> to vector<3246x128xf32>
    %get3A_218 = arith.constant 1 : index
    %get3A_219 = arith.constant 0 : index
    %get3A_220 = arith.constant 0 : index
    %get3A_221 = vector.load %arg6[%get3A_218, %get3A_219, %get3A_220] : memref<9x128x32xf32, #tpu.memory_space<vmem>>, vector<1x128x32xf32>
    %get3A_222 = vector.shape_cast %get3A_221 : vector<1x128x32xf32> to vector<128x32xf32>
    %dot_general3A_223 = arith.constant dense<0.000000e+00> : vector<3246x32xf32>
    %dot_general3A_224 = tpu.matmul %slice3A_217, %get3A_222, %dot_general3A_223 {dimension_numbers = #tpu.dot_dimension_numbers<[1], [0], [0], [1], [0, 0, 1, 1], [], []>, transpose_lhs_hint = false} : vector<3246x128xf32>, vector<128x32xf32>, vector<3246x32xf32> -> vector<3246x32xf32>
    %add3A_225 = arith.addf %dot_general3A_216, %dot_general3A_224 : vector<3246x32xf32>
    %slice3A_226 = vector.extract_strided_slice %max3A_208 {offsets = [2, 0], sizes = [3246, 128], strides = [1, 1]} : vector<3364x128xf32> to vector<3246x128xf32>
    %get3A_227 = arith.constant 2 : index
    %get3A_228 = arith.constant 0 : index
    %get3A_229 = arith.constant 0 : index
    %get3A_230 = vector.load %arg6[%get3A_227, %get3A_228, %get3A_229] : memref<9x128x32xf32, #tpu.memory_space<vmem>>, vector<1x128x32xf32>
    %get3A_231 = vector.shape_cast %get3A_230 : vector<1x128x32xf32> to vector<128x32xf32>
    %dot_general3A_232 = arith.constant dense<0.000000e+00> : vector<3246x32xf32>
    %dot_general3A_233 = tpu.matmul %slice3A_226, %get3A_231, %dot_general3A_232 {dimension_numbers = #tpu.dot_dimension_numbers<[1], [0], [0], [1], [0, 0, 1, 1], [], []>, transpose_lhs_hint = false} : vector<3246x128xf32>, vector<128x32xf32>, vector<3246x32xf32> -> vector<3246x32xf32>
    %add3A_234 = arith.addf %add3A_225, %dot_general3A_233 : vector<3246x32xf32>
    %slice3A_235 = vector.extract_strided_slice %max3A_208 {offsets = [58, 0], sizes = [3246, 128], strides = [1, 1]} : vector<3364x128xf32> to vector<3246x128xf32>
    %get3A_236 = arith.constant 3 : index
    %get3A_237 = arith.constant 0 : index
    %get3A_238 = arith.constant 0 : index
    %get3A_239 = vector.load %arg6[%get3A_236, %get3A_237, %get3A_238] : memref<9x128x32xf32, #tpu.memory_space<vmem>>, vector<1x128x32xf32>
    %get3A_240 = vector.shape_cast %get3A_239 : vector<1x128x32xf32> to vector<128x32xf32>
    %dot_general3A_241 = arith.constant dense<0.000000e+00> : vector<3246x32xf32>
    %dot_general3A_242 = tpu.matmul %slice3A_235, %get3A_240, %dot_general3A_241 {dimension_numbers = #tpu.dot_dimension_numbers<[1], [0], [0], [1], [0, 0, 1, 1], [], []>, transpose_lhs_hint = false} : vector<3246x128xf32>, vector<128x32xf32>, vector<3246x32xf32> -> vector<3246x32xf32>
    %add3A_243 = arith.addf %add3A_234, %dot_general3A_242 : vector<3246x32xf32>
    %slice3A_244 = vector.extract_strided_slice %max3A_208 {offsets = [59, 0], sizes = [3246, 128], strides = [1, 1]} : vector<3364x128xf32> to vector<3246x128xf32>
    %get3A_245 = arith.constant 4 : index
    %get3A_246 = arith.constant 0 : index
    %get3A_247 = arith.constant 0 : index
    %get3A_248 = vector.load %arg6[%get3A_245, %get3A_246, %get3A_247] : memref<9x128x32xf32, #tpu.memory_space<vmem>>, vector<1x128x32xf32>
    %get3A_249 = vector.shape_cast %get3A_248 : vector<1x128x32xf32> to vector<128x32xf32>
    %dot_general3A_250 = arith.constant dense<0.000000e+00> : vector<3246x32xf32>
    %dot_general3A_251 = tpu.matmul %slice3A_244, %get3A_249, %dot_general3A_250 {dimension_numbers = #tpu.dot_dimension_numbers<[1], [0], [0], [1], [0, 0, 1, 1], [], []>, transpose_lhs_hint = false} : vector<3246x128xf32>, vector<128x32xf32>, vector<3246x32xf32> -> vector<3246x32xf32>
    %add3A_252 = arith.addf %add3A_243, %dot_general3A_251 : vector<3246x32xf32>
    %slice3A_253 = vector.extract_strided_slice %max3A_208 {offsets = [60, 0], sizes = [3246, 128], strides = [1, 1]} : vector<3364x128xf32> to vector<3246x128xf32>
    %get3A_254 = arith.constant 5 : index
    %get3A_255 = arith.constant 0 : index
    %get3A_256 = arith.constant 0 : index
    %get3A_257 = vector.load %arg6[%get3A_254, %get3A_255, %get3A_256] : memref<9x128x32xf32, #tpu.memory_space<vmem>>, vector<1x128x32xf32>
    %get3A_258 = vector.shape_cast %get3A_257 : vector<1x128x32xf32> to vector<128x32xf32>
    %dot_general3A_259 = arith.constant dense<0.000000e+00> : vector<3246x32xf32>
    %dot_general3A_260 = tpu.matmul %slice3A_253, %get3A_258, %dot_general3A_259 {dimension_numbers = #tpu.dot_dimension_numbers<[1], [0], [0], [1], [0, 0, 1, 1], [], []>, transpose_lhs_hint = false} : vector<3246x128xf32>, vector<128x32xf32>, vector<3246x32xf32> -> vector<3246x32xf32>
    %add3A_261 = arith.addf %add3A_252, %dot_general3A_260 : vector<3246x32xf32>
    %slice3A_262 = vector.extract_strided_slice %max3A_208 {offsets = [116, 0], sizes = [3246, 128], strides = [1, 1]} : vector<3364x128xf32> to vector<3246x128xf32>
    %get3A_263 = arith.constant 6 : index
    %get3A_264 = arith.constant 0 : index
    %get3A_265 = arith.constant 0 : index
    %get3A_266 = vector.load %arg6[%get3A_263, %get3A_264, %get3A_265] : memref<9x128x32xf32, #tpu.memory_space<vmem>>, vector<1x128x32xf32>
    %get3A_267 = vector.shape_cast %get3A_266 : vector<1x128x32xf32> to vector<128x32xf32>
    %dot_general3A_268 = arith.constant dense<0.000000e+00> : vector<3246x32xf32>
    %dot_general3A_269 = tpu.matmul %slice3A_262, %get3A_267, %dot_general3A_268 {dimension_numbers = #tpu.dot_dimension_numbers<[1], [0], [0], [1], [0, 0, 1, 1], [], []>, transpose_lhs_hint = false} : vector<3246x128xf32>, vector<128x32xf32>, vector<3246x32xf32> -> vector<3246x32xf32>
    %add3A_270 = arith.addf %add3A_261, %dot_general3A_269 : vector<3246x32xf32>
    %slice3A_271 = vector.extract_strided_slice %max3A_208 {offsets = [117, 0], sizes = [3246, 128], strides = [1, 1]} : vector<3364x128xf32> to vector<3246x128xf32>
    %get3A_272 = arith.constant 7 : index
    %get3A_273 = arith.constant 0 : index
    %get3A_274 = arith.constant 0 : index
    %get3A_275 = vector.load %arg6[%get3A_272, %get3A_273, %get3A_274] : memref<9x128x32xf32, #tpu.memory_space<vmem>>, vector<1x128x32xf32>
    %get3A_276 = vector.shape_cast %get3A_275 : vector<1x128x32xf32> to vector<128x32xf32>
    %dot_general3A_277 = arith.constant dense<0.000000e+00> : vector<3246x32xf32>
    %dot_general3A_278 = tpu.matmul %slice3A_271, %get3A_276, %dot_general3A_277 {dimension_numbers = #tpu.dot_dimension_numbers<[1], [0], [0], [1], [0, 0, 1, 1], [], []>, transpose_lhs_hint = false} : vector<3246x128xf32>, vector<128x32xf32>, vector<3246x32xf32> -> vector<3246x32xf32>
    %add3A_279 = arith.addf %add3A_270, %dot_general3A_278 : vector<3246x32xf32>
    %slice3A_280 = vector.extract_strided_slice %max3A_208 {offsets = [118, 0], sizes = [3246, 128], strides = [1, 1]} : vector<3364x128xf32> to vector<3246x128xf32>
    %get3A_281 = arith.constant 8 : index
    %get3A_282 = arith.constant 0 : index
    %get3A_283 = arith.constant 0 : index
    %get3A_284 = vector.load %arg6[%get3A_281, %get3A_282, %get3A_283] : memref<9x128x32xf32, #tpu.memory_space<vmem>>, vector<1x128x32xf32>
    %get3A_285 = vector.shape_cast %get3A_284 : vector<1x128x32xf32> to vector<128x32xf32>
    %dot_general3A_286 = arith.constant dense<0.000000e+00> : vector<3246x32xf32>
    %dot_general3A_287 = tpu.matmul %slice3A_280, %get3A_285, %dot_general3A_286 {dimension_numbers = #tpu.dot_dimension_numbers<[1], [0], [0], [1], [0, 0, 1, 1], [], []>, transpose_lhs_hint = false} : vector<3246x128xf32>, vector<128x32xf32>, vector<3246x32xf32> -> vector<3246x32xf32>
    %add3A_288 = arith.addf %add3A_279, %dot_general3A_287 : vector<3246x32xf32>
    %max3A_289 = arith.constant 0.000000e+00 : f32
    %max3A_290 = vector.broadcast %max3A_289 : f32 to vector<3246x32xf32>
    %max3A_291 = arith.maximumf %add3A_288, %max3A_290 : vector<3246x32xf32>
    %get3A_292 = arith.constant 0 : index
    %get3A_293 = arith.constant 0 : index
    %get3A_294 = vector.load %arg7[%get3A_292, %get3A_293] : memref<32x128xf32, #tpu.memory_space<vmem>>, vector<32x128xf32>
    %dot_general3A_295 = arith.constant dense<0.000000e+00> : vector<3246x128xf32>
    %dot_general3A_296 = tpu.matmul %max3A_291, %get3A_294, %dot_general3A_295 {dimension_numbers = #tpu.dot_dimension_numbers<[1], [0], [0], [1], [0, 0, 1, 1], [], []>, transpose_lhs_hint = false} : vector<3246x32xf32>, vector<32x128xf32>, vector<3246x128xf32> -> vector<3246x128xf32>
    %add3A_297 = arith.addf %mul3A_204, %dot_general3A_296 : vector<3246x128xf32>
    %mul3A_298 = vector.broadcast %convert_element_type3A_22 : vector<3246x1xf32> to vector<3246x128xf32>
    %mul3A_299 = arith.mulf %add3A_297, %mul3A_298 : vector<3246x128xf32>
    %max3A_300 = arith.constant 0.000000e+00 : f32
    %max3A_301 = vector.broadcast %max3A_300 : f32 to vector<3246x128xf32>
    %max3A_302 = arith.maximumf %mul3A_299, %max3A_301 : vector<3246x128xf32>
    %get3A_303 = arith.constant 0 : index
    %get3A_304 = arith.constant 0 : index
    %get3A_305 = vector.load %arg8[%get3A_303, %get3A_304] : memref<128x64xf32, #tpu.memory_space<vmem>>, vector<128x64xf32>
    %dot_general3A_306 = arith.constant dense<0.000000e+00> : vector<3246x64xf32>
    %dot_general3A_307 = tpu.matmul %max3A_302, %get3A_305, %dot_general3A_306 {dimension_numbers = #tpu.dot_dimension_numbers<[1], [0], [0], [1], [0, 0, 1, 1], [], []>, transpose_lhs_hint = false} : vector<3246x128xf32>, vector<128x64xf32>, vector<3246x64xf32> -> vector<3246x64xf32>
    %get3A_308 = arith.constant 0 : index
    %get3A_309 = arith.constant 0 : index
    %get3A_310 = vector.load %arg9[%get3A_308, %get3A_309] : memref<1x64xf32, #tpu.memory_space<vmem>>, vector<1x64xf32>
    %add3A_311 = vector.broadcast %get3A_310 : vector<1x64xf32> to vector<3246x64xf32>
    %add3A_312 = arith.addf %dot_general3A_307, %add3A_311 : vector<3246x64xf32>
    %get3A_313 = arith.constant 0 : index
    %get3A_314 = arith.constant 0 : index
    %get3A_315 = vector.load %arg10[%get3A_313, %get3A_314] : memref<64x512xf32, #tpu.memory_space<vmem>>, vector<64x512xf32>
    %mul3A_316 = arith.mulf %get3A_315, %get3A_315 : vector<64x512xf32>
    %reduce_sum3A = arith.constant dense<0.000000e+00> : vector<512xf32>
    %reduce_sum3A_317 = vector.multi_reduction <add>, %mul3A_316, %reduce_sum3A [0] : vector<64x512xf32> to vector<512xf32>
    %broadcast_in_dim3A_318 = vector.shape_cast %reduce_sum3A_317 : vector<512xf32> to vector<1x512xf32>
    %mul3A_319 = arith.mulf %add3A_312, %add3A_312 : vector<3246x64xf32>
    %reduce_sum3A_320 = arith.constant dense<0.000000e+00> : vector<3246xf32>
    %reduce_sum3A_321 = vector.multi_reduction <add>, %mul3A_319, %reduce_sum3A_320 [1] : vector<3246x64xf32> to vector<3246xf32>
    %broadcast_in_dim3A_322 = vector.shape_cast %reduce_sum3A_321 : vector<3246xf32> to vector<3246x1xf32>
    %dot_general3A_323 = arith.constant dense<0.000000e+00> : vector<3246x512xf32>
    %dot_general3A_324 = tpu.matmul %add3A_312, %get3A_315, %dot_general3A_323 {dimension_numbers = #tpu.dot_dimension_numbers<[1], [0], [0], [1], [0, 0, 1, 1], [], []>, transpose_lhs_hint = false} : vector<3246x64xf32>, vector<64x512xf32>, vector<3246x512xf32> -> vector<3246x512xf32>
    %add3A_325 = vector.broadcast %broadcast_in_dim3A_322 : vector<3246x1xf32> to vector<3246x512xf32>
    %add3A_326 = vector.broadcast %broadcast_in_dim3A_318 : vector<1x512xf32> to vector<3246x512xf32>
    %add3A_327 = arith.addf %add3A_325, %add3A_326 : vector<3246x512xf32>
    %mul3A_328 = arith.constant 2.000000e+00 : f32
    %mul3A_329 = vector.broadcast %mul3A_328 : f32 to vector<3246x512xf32>
    %mul3A_330 = arith.mulf %mul3A_329, %dot_general3A_324 : vector<3246x512xf32>
    %sub3A = arith.subf %add3A_327, %mul3A_330 : vector<3246x512xf32>
    %argmin3A = tpu.reduce_index %sub3A {axis = 1 : i32, kind = #tpu.reduction_kind<arg_min>} : vector<3246x512xf32> -> vector<3246xi32>
    %reshape3A = vector.shape_cast %argmin3A : vector<3246xi32> to vector<3246x1xi32>
    %reduce_min3A = arith.constant dense<0x7F800000> : vector<3246xf32>
    %reduce_min3A_331 = vector.multi_reduction <minimumf>, %sub3A, %reduce_min3A [1] : vector<3246x512xf32> to vector<3246xf32>
    %broadcast_in_dim3A_332 = vector.shape_cast %reduce_min3A_331 : vector<3246xf32> to vector<3246x1xf32>
    %mul3A_333 = arith.mulf %broadcast_in_dim3A_332, %convert_element_type3A_22 : vector<3246x1xf32>
    %reduce_sum3A_334 = vector.shape_cast %mul3A_333 : vector<3246x1xf32> to vector<1x3246x1xf32>
    %reduce_sum3A_335 = arith.constant dense<0.000000e+00> : vector<1xf32>
    %reduce_sum3A_336 = vector.multi_reduction <add>, %reduce_sum3A_334, %reduce_sum3A_335 [1, 2] : vector<1x3246x1xf32> to vector<1xf32>
    %reduce_sum3A_337 = vector.shape_cast %reduce_sum3A_336 : vector<1xf32> to vector<1x1x1xf32>
    %reduce_sum3A_338 = vector.extract %reduce_sum3A_337[0, 0, 0] : f32 from vector<1x1x1xf32>
    %iota3A_339 = tpu.iota {dimensions = array<i32: 1>} : vector<3246x512xi32>
    %eq3A_340 = vector.broadcast %reshape3A : vector<3246x1xi32> to vector<3246x512xi32>
    %eq3A_341 = arith.cmpi eq, %iota3A_339, %eq3A_340 : vector<3246x512xi32>
    %convert_element_type3A_342 = arith.extui %eq3A_341 : vector<3246x512xi1> to vector<3246x512xi32>
    %convert_element_type3A_343 = arith.sitofp %convert_element_type3A_342 : vector<3246x512xi32> to vector<3246x512xf32>
    %mul3A_344 = vector.broadcast %convert_element_type3A_22 : vector<3246x1xf32> to vector<3246x512xf32>
    %mul3A_345 = arith.mulf %convert_element_type3A_343, %mul3A_344 : vector<3246x512xf32>
    %reduce_sum3A_346 = arith.constant dense<0.000000e+00> : vector<512xf32>
    %reduce_sum3A_347 = vector.multi_reduction <add>, %mul3A_345, %reduce_sum3A_346 [0] : vector<3246x512xf32> to vector<512xf32>
    %broadcast_in_dim3A_348 = vector.shape_cast %reduce_sum3A_347 : vector<512xf32> to vector<1x512xf32>
    %gt3A = arith.constant 0.000000e+00 : f32
    %gt3A_349 = vector.broadcast %gt3A : f32 to vector<3246x1xf32>
    %gt3A_350 = arith.cmpf ogt, %convert_element_type3A_22, %gt3A_349 : vector<3246x1xf32>
    %jit3A_351 = arith.constant 512 : i32
    %broadcast_in_dim3A_352 = vector.broadcast %jit3A_351 : i32 to vector<3246x1xi32>
    %select_n3A_353 = arith.select %gt3A_350, %reshape3A, %broadcast_in_dim3A_352 : vector<3246x1xi1>, vector<3246x1xi32>
    %convert_element_type3A_354 = arith.sitofp %select_n3A_353 : vector<3246x1xi32> to vector<3246x1xf32>
    %swap3A = arith.constant 0 : index
    %swap3A_355 = arith.constant 0 : index
    %swap3A_356 = arith.constant 0 : index
    %swap3A_357 = vector.load %arg11[%swap3A, %swap3A_355, %swap3A_356] : memref<1x3246x1xf32, #tpu.memory_space<vmem>>, vector<1x3246x1xf32>
    %swap3A_358 = vector.shape_cast %swap3A_357 : vector<1x3246x1xf32> to vector<3246x1xf32>
    %swap3A_359 = vector.shape_cast %convert_element_type3A_354 : vector<3246x1xf32> to vector<1x3246x1xf32>
    tpu.vector_store %arg11[%swap3A, %swap3A_355, %swap3A_356], %swap3A_359 {strides = array<i32>} : memref<1x3246x1xf32, #tpu.memory_space<vmem>>, vector<1x3246x1xf32>,
    %eq3A_360 = arith.constant 0 : i32
    %eq3A_361 = arith.cmpi eq, %arg0, %eq3A_360 : i32
    %convert_element_type3A_362 = arith.extui %eq3A_361 : i1 to i32
    %cond3A = arith.constant 0 : i32
    %cond3A_363 = arith.cmpi ne, %convert_element_type3A_362, %cond3A : i32
    scf.if %cond3A_363 {
      %swap3A_374 = arith.constant 0 : index
      %swap3A_375 = arith.constant 0 : index
      %swap3A_376 = vector.load %arg14[%swap3A_374, %swap3A_375] : memref<1x512xf32, #tpu.memory_space<vmem>>, vector<1x512xf32>
      tpu.vector_store %arg14[%swap3A_374, %swap3A_375], %broadcast_in_dim3A_348 {strides = array<i32>} : memref<1x512xf32, #tpu.memory_space<vmem>>, vector<1x512xf32>,
      %swap3A_377 = arith.constant 0 : index
      %swap3A_378 = memref.load %arg15[%swap3A_377] : memref<1xf32, #tpu.memory_space<smem>>
      memref.store %reduce_sum3A_338, %arg15[%swap3A_377] : memref<1xf32, #tpu.memory_space<smem>>
    } else {
    }
    %gt3A_364 = arith.constant 0 : i32
    %gt3A_365 = arith.cmpi sgt, %arg0, %gt3A_364 : i32
    %convert_element_type3A_366 = arith.extui %gt3A_365 : i1 to i32
    %cond3A_367 = arith.constant 0 : i32
    %cond3A_368 = arith.cmpi ne, %convert_element_type3A_366, %cond3A_367 : i32
    scf.if %cond3A_368 {
      %get3A_374 = arith.constant 0 : index
      %get3A_375 = arith.constant 0 : index
      %get3A_376 = vector.load %arg14[%get3A_374, %get3A_375] : memref<1x512xf32, #tpu.memory_space<vmem>>, vector<1x512xf32>
      %add3A_377 = arith.addf %get3A_376, %broadcast_in_dim3A_348 : vector<1x512xf32>
      %swap3A_378 = arith.constant 0 : index
      %swap3A_379 = arith.constant 0 : index
      %swap3A_380 = vector.load %arg14[%swap3A_378, %swap3A_379] : memref<1x512xf32, #tpu.memory_space<vmem>>, vector<1x512xf32>
      tpu.vector_store %arg14[%swap3A_378, %swap3A_379], %add3A_377 {strides = array<i32>} : memref<1x512xf32, #tpu.memory_space<vmem>>, vector<1x512xf32>,
      %get3A_381 = arith.constant 0 : index
      %get3A_382 = memref.load %arg15[%get3A_381] : memref<1xf32, #tpu.memory_space<smem>>
      %add3A_383 = arith.addf %get3A_382, %reduce_sum3A_338 : f32
      %swap3A_384 = arith.constant 0 : index
      %swap3A_385 = memref.load %arg15[%swap3A_384] : memref<1xf32, #tpu.memory_space<smem>>
      memref.store %add3A_383, %arg15[%swap3A_384] : memref<1xf32, #tpu.memory_space<smem>>
    } else {
    }
    %eq3A_369 = arith.constant 7 : i32
    %eq3A_370 = arith.cmpi eq, %arg0, %eq3A_369 : i32
    %convert_element_type3A_371 = arith.extui %eq3A_370 : i1 to i32
    %cond3A_372 = arith.constant 0 : i32
    %cond3A_373 = arith.cmpi ne, %convert_element_type3A_371, %cond3A_372 : i32
    scf.if %cond3A_373 {
      %get3A_374 = arith.constant 0 : index
      %get3A_375 = arith.constant 0 : index
      %get3A_376 = vector.load %arg14[%get3A_374, %get3A_375] : memref<1x512xf32, #tpu.memory_space<vmem>>, vector<1x512xf32>
      %div3A = arith.constant 2.508800e+04 : f32
      %div3A_377 = vector.broadcast %div3A : f32 to vector<1x512xf32>
      %div3A_378 = arith.divf %get3A_376, %div3A_377 : vector<1x512xf32>
      %add3A_379 = arith.constant 1.000000e-10 : f32
      %add3A_380 = vector.broadcast %add3A_379 : f32 to vector<1x512xf32>
      %add3A_381 = arith.addf %div3A_378, %add3A_380 : vector<1x512xf32>
      %log3A = math.log %add3A_381 : vector<1x512xf32>
      %mul3A_382 = arith.mulf %div3A_378, %log3A : vector<1x512xf32>
      %reduce_sum3A_383 = vector.shape_cast %mul3A_382 : vector<1x512xf32> to vector<1x1x512xf32>
      %reduce_sum3A_384 = arith.constant dense<0.000000e+00> : vector<1xf32>
      %reduce_sum3A_385 = vector.multi_reduction <add>, %reduce_sum3A_383, %reduce_sum3A_384 [1, 2] : vector<1x1x512xf32> to vector<1xf32>
      %reduce_sum3A_386 = vector.shape_cast %reduce_sum3A_385 : vector<1xf32> to vector<1x1x1xf32>
      %reduce_sum3A_387 = vector.extract %reduce_sum3A_386[0, 0, 0] : f32 from vector<1x1x1xf32>
      %neg3A = arith.constant 0.000000e+00 : f32
      %neg3A_388 = arith.subf %neg3A, %reduce_sum3A_387 : f32
      %exp3A = math.exp %neg3A_388 : f32
      %broadcast_in_dim3A_389 = arith.constant 1.000000e+00 : f32
      %broadcast_in_dim3A_390 = vector.broadcast %broadcast_in_dim3A_389 : f32 to vector<1x1xf32>
      %mul3A_391 = vector.broadcast %exp3A : f32 to vector<1x1xf32>
      %mul3A_392 = arith.mulf %mul3A_391, %broadcast_in_dim3A_390 : vector<1x1xf32>
      %swap3A_393 = arith.constant 0 : index
      %swap3A_394 = arith.constant 0 : index
      %swap3A_395 = vector.load %arg13[%swap3A_393, %swap3A_394] : memref<1x1xf32, #tpu.memory_space<vmem>>, vector<1x1xf32>
      tpu.vector_store %arg13[%swap3A_393, %swap3A_394], %mul3A_392 {strides = array<i32>} : memref<1x1xf32, #tpu.memory_space<vmem>>, vector<1x1xf32>,
      %get3A_396 = arith.constant 0 : index
      %get3A_397 = memref.load %arg15[%get3A_396] : memref<1xf32, #tpu.memory_space<smem>>
      %mul3A_398 = arith.constant 2.500000e-01 : f32
      %mul3A_399 = arith.mulf %mul3A_398, %get3A_397 : f32
      %div3A_400 = arith.constant 0x49C40000 : f32
      %div3A_401 = arith.divf %mul3A_399, %div3A_400 : f32
      %broadcast_in_dim3A_402 = arith.constant 1.000000e+00 : f32
      %broadcast_in_dim3A_403 = vector.broadcast %broadcast_in_dim3A_402 : f32 to vector<1x1xf32>
      %mul3A_404 = vector.broadcast %div3A_401 : f32 to vector<1x1xf32>
      %mul3A_405 = arith.mulf %mul3A_404, %broadcast_in_dim3A_403 : vector<1x1xf32>
      %swap3A_406 = arith.constant 0 : index
      %swap3A_407 = arith.constant 0 : index
      %swap3A_408 = vector.load %arg12[%swap3A_406, %swap3A_407] : memref<1x1xf32, #tpu.memory_space<vmem>>, vector<1x1xf32>
      tpu.vector_store %arg12[%swap3A_406, %swap3A_407], %mul3A_405 {strides = array<i32>} : memref<1x1xf32, #tpu.memory_space<vmem>>, vector<1x1xf32>,
    } else {
    }
    return
  }
  func.func @transform_0(%arg0: i32) -> (i32, i32, i32) {
    %c0_i32 = arith.constant 0 : i32
    %c0_i32_0 = arith.constant 0 : i32
    %c0_i32_1 = arith.constant 0 : i32
    return %arg0, %c0_i32, %c0_i32_0 : i32, i32, i32
  }
  func.func @transform_1(%arg0: i32) -> (i32, i32, i32) {
    %c0_i32 = arith.constant 0 : i32
    %c0_i32_0 = arith.constant 0 : i32
    %c0_i32_1 = arith.constant 0 : i32
    %c0_i32_2 = arith.constant 0 : i32
    return %c0_i32, %c0_i32_0, %c0_i32_1 : i32, i32, i32
  }
  func.func @transform_2(%arg0: i32) -> (i32, i32) {
    %c0_i32 = arith.constant 0 : i32
    %c0_i32_0 = arith.constant 0 : i32
    %c0_i32_1 = arith.constant 0 : i32
    return %c0_i32, %c0_i32_0 : i32, i32
  }
  func.func @transform_3(%arg0: i32) -> (i32, i32, i32) {
    %c0_i32 = arith.constant 0 : i32
    %c0_i32_0 = arith.constant 0 : i32
    %c0_i32_1 = arith.constant 0 : i32
    %c0_i32_2 = arith.constant 0 : i32
    return %c0_i32, %c0_i32_0, %c0_i32_1 : i32, i32, i32
  }
  func.func @transform_4(%arg0: i32) -> (i32, i32) {
    %c0_i32 = arith.constant 0 : i32
    %c0_i32_0 = arith.constant 0 : i32
    %c0_i32_1 = arith.constant 0 : i32
    return %c0_i32, %c0_i32_0 : i32, i32
  }
  func.func @transform_5(%arg0: i32) -> (i32, i32, i32) {
    %c0_i32 = arith.constant 0 : i32
    %c0_i32_0 = arith.constant 0 : i32
    %c0_i32_1 = arith.constant 0 : i32
    %c0_i32_2 = arith.constant 0 : i32
    return %c0_i32, %c0_i32_0, %c0_i32_1 : i32, i32, i32
  }
  func.func @transform_6(%arg0: i32) -> (i32, i32) {
    %c0_i32 = arith.constant 0 : i32
    %c0_i32_0 = arith.constant 0 : i32
    %c0_i32_1 = arith.constant 0 : i32
    return %c0_i32, %c0_i32_0 : i32, i32
  }
  func.func @transform_7(%arg0: i32) -> (i32, i32) {
    %c0_i32 = arith.constant 0 : i32
    %c0_i32_0 = arith.constant 0 : i32
    %c0_i32_1 = arith.constant 0 : i32
    return %c0_i32, %c0_i32_0 : i32, i32
  }
  func.func @transform_8(%arg0: i32) -> (i32, i32) {
    %c0_i32 = arith.constant 0 : i32
    %c0_i32_0 = arith.constant 0 : i32
    %c0_i32_1 = arith.constant 0 : i32
    return %c0_i32, %c0_i32_0 : i32, i32
  }
  func.func @transform_9(%arg0: i32) -> (i32, i32) {
    %c0_i32 = arith.constant 0 : i32
    %c0_i32_0 = arith.constant 0 : i32
    %c0_i32_1 = arith.constant 0 : i32
    return %c0_i32, %c0_i32_0 : i32, i32
  }
  func.func @transform_10(%arg0: i32) -> (i32, i32, i32) {
    %c0_i32 = arith.constant 0 : i32
    %c0_i32_0 = arith.constant 0 : i32
    %c0_i32_1 = arith.constant 0 : i32
    return %arg0, %c0_i32, %c0_i32_0 : i32, i32, i32
  }
  func.func @transform_11(%arg0: i32) -> (i32, i32) {
    %c0_i32 = arith.constant 0 : i32
    %c0_i32_0 = arith.constant 0 : i32
    %c0_i32_1 = arith.constant 0 : i32
    return %c0_i32, %c0_i32_0 : i32, i32
  }
  func.func @transform_12(%arg0: i32) -> (i32, i32) {
    %c0_i32 = arith.constant 0 : i32
    %c0_i32_0 = arith.constant 0 : i32
    %c0_i32_1 = arith.constant 0 : i32
    return %c0_i32, %c0_i32_0 : i32, i32
  }
}

module attributes {stable_mosaic.version = 14 : i64} {
  func.func @_dec_body(%arg0: i32, %arg1: memref<1x3246x128xf32, #tpu.memory_space<vmem>>, %arg2: memref<9x128x128xf32, #tpu.memory_space<vmem>>, %arg3: memref<1x128xf32, #tpu.memory_space<vmem>>, %arg4: memref<9x128x32xf32, #tpu.memory_space<vmem>>, %arg5: memref<32x128xf32, #tpu.memory_space<vmem>>, %arg6: memref<9x128x32xf32, #tpu.memory_space<vmem>>, %arg7: memref<32x128xf32, #tpu.memory_space<vmem>>, %arg8: memref<4x4x128x64xf32, #tpu.memory_space<vmem>>, %arg9: memref<1x64xf32, #tpu.memory_space<vmem>>, %arg10: memref<1x3246x256xf32, #tpu.memory_space<vmem>>) attributes {dimension_semantics = [#tpu.dimension_semantics<arbitrary>], iteration_bounds = array<i64: 8>, scalar_prefetch = 0 : i64, scratch_operands = 0 : i64, tpu.core_type = #tpu.core_type<tc>, window_params = [{transform_indices = @transform_0, window_bounds = array<i64: 1, 3246, 128>}, {pipeline_mode = #tpu.pipeline_mode<synchronous>, transform_indices = @transform_1, window_bounds = array<i64: 9, 128, 128>}, {pipeline_mode = #tpu.pipeline_mode<synchronous>, transform_indices = @transform_2, window_bounds = array<i64: 1, 128>}, {pipeline_mode = #tpu.pipeline_mode<synchronous>, transform_indices = @transform_3, window_bounds = array<i64: 9, 128, 32>}, {pipeline_mode = #tpu.pipeline_mode<synchronous>, transform_indices = @transform_4, window_bounds = array<i64: 32, 128>}, {pipeline_mode = #tpu.pipeline_mode<synchronous>, transform_indices = @transform_5, window_bounds = array<i64: 9, 128, 32>}, {pipeline_mode = #tpu.pipeline_mode<synchronous>, transform_indices = @transform_6, window_bounds = array<i64: 32, 128>}, {pipeline_mode = #tpu.pipeline_mode<synchronous>, transform_indices = @transform_7, window_bounds = array<i64: 4, 4, 128, 64>}, {pipeline_mode = #tpu.pipeline_mode<synchronous>, transform_indices = @transform_8, window_bounds = array<i64: 1, 64>}, {transform_indices = @transform_9, window_bounds = array<i64: 1, 3246, 256>}]} {
    %iota3A = tpu.iota {dimensions = array<i32: 0>} : vector<3246x1xi32>
    %add3A = arith.constant 59 : i32
    %add3A_0 = vector.broadcast %add3A : i32 to vector<3246x1xi32>
    %add3A_1 = arith.addi %iota3A, %add3A_0 : vector<3246x1xi32>
    %jit3A = arith.constant 58 : i32
    %eq3A = arith.constant 0 : i32
    %eq3A_2 = arith.cmpi eq, %jit3A, %eq3A : i32
    %jit3A_3 = arith.constant 1 : i32
    %select_n3A = arith.select %eq3A_2, %jit3A_3, %jit3A : i32
    %rem3A = vector.broadcast %select_n3A : i32 to vector<3246x1xi32>
    %rem3A_4 = arith.remsi %add3A_1, %rem3A : vector<3246x1xi32>
    %ne3A = arith.constant 0 : i32
    %ne3A_5 = vector.broadcast %ne3A : i32 to vector<3246x1xi32>
    %ne3A_6 = arith.cmpi ne, %rem3A_4, %ne3A_5 : vector<3246x1xi32>
    %lt3A = arith.constant 0 : i32
    %lt3A_7 = vector.broadcast %lt3A : i32 to vector<3246x1xi32>
    %lt3A_8 = arith.cmpi slt, %rem3A_4, %lt3A_7 : vector<3246x1xi32>
    %lt3A_9 = arith.constant 0 : i32
    %lt3A_10 = arith.cmpi slt, %select_n3A, %lt3A_9 : i32
    %ne3A_11 = vector.broadcast %lt3A_10 : i1 to vector<3246x1xi1>
    %ne3A_12 = vector.broadcast %ne3A_11 : vector<3246x1xi1> to vector<3246x1xi1>
    %ne3A_13 = arith.xori %lt3A_8, %ne3A_12 : vector<3246x1xi1>
    %and3A = arith.andi %ne3A_13, %ne3A_6 : vector<3246x1xi1>
    %add3A_14 = vector.broadcast %select_n3A : i32 to vector<3246x1xi32>
    %add3A_15 = arith.addi %rem3A_4, %add3A_14 : vector<3246x1xi32>
    %select_n3A_16 = arith.select %and3A, %add3A_15, %rem3A_4 : vector<3246x1xi1>, vector<3246x1xi32>
    %ge3A = arith.constant 1 : i32
    %ge3A_17 = vector.broadcast %ge3A : i32 to vector<3246x1xi32>
    %ge3A_18 = arith.cmpi sge, %select_n3A_16, %ge3A_17 : vector<3246x1xi32>
    %le3A = arith.constant 56 : i32
    %le3A_19 = vector.broadcast %le3A : i32 to vector<3246x1xi32>
    %le3A_20 = arith.cmpi sle, %select_n3A_16, %le3A_19 : vector<3246x1xi32>
    %and3A_21 = arith.andi %ge3A_18, %le3A_20 : vector<3246x1xi1>
    %convert_element_type3A = arith.extui %and3A_21 : vector<3246x1xi1> to vector<3246x1xi32>
    %convert_element_type3A_22 = arith.sitofp %convert_element_type3A : vector<3246x1xi32> to vector<3246x1xf32>
    %get3A = arith.constant 0 : index
    %get3A_23 = arith.constant 0 : index
    %get3A_24 = arith.constant 0 : index
    %get3A_25 = vector.load %arg1[%get3A, %get3A_23, %get3A_24] : memref<1x3246x128xf32, #tpu.memory_space<vmem>>, vector<1x3246x128xf32>
    %get3A_26 = vector.shape_cast %get3A_25 : vector<1x3246x128xf32> to vector<3246x128xf32>
    %broadcast_in_dim3A = arith.constant 0.000000e+00 : f32
    %broadcast_in_dim3A_27 = vector.broadcast %broadcast_in_dim3A : f32 to vector<59x128xf32>
    %mul3A = vector.broadcast %convert_element_type3A_22 : vector<3246x1xf32> to vector<3246x128xf32>
    %mul3A_28 = arith.mulf %get3A_26, %mul3A : vector<3246x128xf32>
    %concatenate3A = tpu.concatenate %broadcast_in_dim3A_27, %mul3A_28, %broadcast_in_dim3A_27 in 0 : vector<59x128xf32>, vector<3246x128xf32>, vector<59x128xf32> -> vector<3364x128xf32>
    %slice3A = vector.extract_strided_slice %concatenate3A {offsets = [0, 0], sizes = [3246, 128], strides = [1, 1]} : vector<3364x128xf32> to vector<3246x128xf32>
    %get3A_29 = arith.constant 0 : index
    %get3A_30 = arith.constant 0 : index
    %get3A_31 = arith.constant 0 : index
    %get3A_32 = vector.load %arg2[%get3A_29, %get3A_30, %get3A_31] : memref<9x128x128xf32, #tpu.memory_space<vmem>>, vector<1x128x128xf32>
    %get3A_33 = vector.shape_cast %get3A_32 : vector<1x128x128xf32> to vector<128x128xf32>
    %dot_general3A = arith.constant dense<0.000000e+00> : vector<3246x128xf32>
    %dot_general3A_34 = tpu.matmul %slice3A, %get3A_33, %dot_general3A {dimension_numbers = #tpu.dot_dimension_numbers<[1], [0], [0], [1], [0, 0, 1, 1], [], []>, transpose_lhs_hint = false} : vector<3246x128xf32>, vector<128x128xf32>, vector<3246x128xf32> -> vector<3246x128xf32>
    %slice3A_35 = vector.extract_strided_slice %concatenate3A {offsets = [1, 0], sizes = [3246, 128], strides = [1, 1]} : vector<3364x128xf32> to vector<3246x128xf32>
    %get3A_36 = arith.constant 1 : index
    %get3A_37 = arith.constant 0 : index
    %get3A_38 = arith.constant 0 : index
    %get3A_39 = vector.load %arg2[%get3A_36, %get3A_37, %get3A_38] : memref<9x128x128xf32, #tpu.memory_space<vmem>>, vector<1x128x128xf32>
    %get3A_40 = vector.shape_cast %get3A_39 : vector<1x128x128xf32> to vector<128x128xf32>
    %dot_general3A_41 = arith.constant dense<0.000000e+00> : vector<3246x128xf32>
    %dot_general3A_42 = tpu.matmul %slice3A_35, %get3A_40, %dot_general3A_41 {dimension_numbers = #tpu.dot_dimension_numbers<[1], [0], [0], [1], [0, 0, 1, 1], [], []>, transpose_lhs_hint = false} : vector<3246x128xf32>, vector<128x128xf32>, vector<3246x128xf32> -> vector<3246x128xf32>
    %add3A_43 = arith.addf %dot_general3A_34, %dot_general3A_42 : vector<3246x128xf32>
    %slice3A_44 = vector.extract_strided_slice %concatenate3A {offsets = [2, 0], sizes = [3246, 128], strides = [1, 1]} : vector<3364x128xf32> to vector<3246x128xf32>
    %get3A_45 = arith.constant 2 : index
    %get3A_46 = arith.constant 0 : index
    %get3A_47 = arith.constant 0 : index
    %get3A_48 = vector.load %arg2[%get3A_45, %get3A_46, %get3A_47] : memref<9x128x128xf32, #tpu.memory_space<vmem>>, vector<1x128x128xf32>
    %get3A_49 = vector.shape_cast %get3A_48 : vector<1x128x128xf32> to vector<128x128xf32>
    %dot_general3A_50 = arith.constant dense<0.000000e+00> : vector<3246x128xf32>
    %dot_general3A_51 = tpu.matmul %slice3A_44, %get3A_49, %dot_general3A_50 {dimension_numbers = #tpu.dot_dimension_numbers<[1], [0], [0], [1], [0, 0, 1, 1], [], []>, transpose_lhs_hint = false} : vector<3246x128xf32>, vector<128x128xf32>, vector<3246x128xf32> -> vector<3246x128xf32>
    %add3A_52 = arith.addf %add3A_43, %dot_general3A_51 : vector<3246x128xf32>
    %slice3A_53 = vector.extract_strided_slice %concatenate3A {offsets = [58, 0], sizes = [3246, 128], strides = [1, 1]} : vector<3364x128xf32> to vector<3246x128xf32>
    %get3A_54 = arith.constant 3 : index
    %get3A_55 = arith.constant 0 : index
    %get3A_56 = arith.constant 0 : index
    %get3A_57 = vector.load %arg2[%get3A_54, %get3A_55, %get3A_56] : memref<9x128x128xf32, #tpu.memory_space<vmem>>, vector<1x128x128xf32>
    %get3A_58 = vector.shape_cast %get3A_57 : vector<1x128x128xf32> to vector<128x128xf32>
    %dot_general3A_59 = arith.constant dense<0.000000e+00> : vector<3246x128xf32>
    %dot_general3A_60 = tpu.matmul %slice3A_53, %get3A_58, %dot_general3A_59 {dimension_numbers = #tpu.dot_dimension_numbers<[1], [0], [0], [1], [0, 0, 1, 1], [], []>, transpose_lhs_hint = false} : vector<3246x128xf32>, vector<128x128xf32>, vector<3246x128xf32> -> vector<3246x128xf32>
    %add3A_61 = arith.addf %add3A_52, %dot_general3A_60 : vector<3246x128xf32>
    %slice3A_62 = vector.extract_strided_slice %concatenate3A {offsets = [59, 0], sizes = [3246, 128], strides = [1, 1]} : vector<3364x128xf32> to vector<3246x128xf32>
    %get3A_63 = arith.constant 4 : index
    %get3A_64 = arith.constant 0 : index
    %get3A_65 = arith.constant 0 : index
    %get3A_66 = vector.load %arg2[%get3A_63, %get3A_64, %get3A_65] : memref<9x128x128xf32, #tpu.memory_space<vmem>>, vector<1x128x128xf32>
    %get3A_67 = vector.shape_cast %get3A_66 : vector<1x128x128xf32> to vector<128x128xf32>
    %dot_general3A_68 = arith.constant dense<0.000000e+00> : vector<3246x128xf32>
    %dot_general3A_69 = tpu.matmul %slice3A_62, %get3A_67, %dot_general3A_68 {dimension_numbers = #tpu.dot_dimension_numbers<[1], [0], [0], [1], [0, 0, 1, 1], [], []>, transpose_lhs_hint = false} : vector<3246x128xf32>, vector<128x128xf32>, vector<3246x128xf32> -> vector<3246x128xf32>
    %add3A_70 = arith.addf %add3A_61, %dot_general3A_69 : vector<3246x128xf32>
    %slice3A_71 = vector.extract_strided_slice %concatenate3A {offsets = [60, 0], sizes = [3246, 128], strides = [1, 1]} : vector<3364x128xf32> to vector<3246x128xf32>
    %get3A_72 = arith.constant 5 : index
    %get3A_73 = arith.constant 0 : index
    %get3A_74 = arith.constant 0 : index
    %get3A_75 = vector.load %arg2[%get3A_72, %get3A_73, %get3A_74] : memref<9x128x128xf32, #tpu.memory_space<vmem>>, vector<1x128x128xf32>
    %get3A_76 = vector.shape_cast %get3A_75 : vector<1x128x128xf32> to vector<128x128xf32>
    %dot_general3A_77 = arith.constant dense<0.000000e+00> : vector<3246x128xf32>
    %dot_general3A_78 = tpu.matmul %slice3A_71, %get3A_76, %dot_general3A_77 {dimension_numbers = #tpu.dot_dimension_numbers<[1], [0], [0], [1], [0, 0, 1, 1], [], []>, transpose_lhs_hint = false} : vector<3246x128xf32>, vector<128x128xf32>, vector<3246x128xf32> -> vector<3246x128xf32>
    %add3A_79 = arith.addf %add3A_70, %dot_general3A_78 : vector<3246x128xf32>
    %slice3A_80 = vector.extract_strided_slice %concatenate3A {offsets = [116, 0], sizes = [3246, 128], strides = [1, 1]} : vector<3364x128xf32> to vector<3246x128xf32>
    %get3A_81 = arith.constant 6 : index
    %get3A_82 = arith.constant 0 : index
    %get3A_83 = arith.constant 0 : index
    %get3A_84 = vector.load %arg2[%get3A_81, %get3A_82, %get3A_83] : memref<9x128x128xf32, #tpu.memory_space<vmem>>, vector<1x128x128xf32>
    %get3A_85 = vector.shape_cast %get3A_84 : vector<1x128x128xf32> to vector<128x128xf32>
    %dot_general3A_86 = arith.constant dense<0.000000e+00> : vector<3246x128xf32>
    %dot_general3A_87 = tpu.matmul %slice3A_80, %get3A_85, %dot_general3A_86 {dimension_numbers = #tpu.dot_dimension_numbers<[1], [0], [0], [1], [0, 0, 1, 1], [], []>, transpose_lhs_hint = false} : vector<3246x128xf32>, vector<128x128xf32>, vector<3246x128xf32> -> vector<3246x128xf32>
    %add3A_88 = arith.addf %add3A_79, %dot_general3A_87 : vector<3246x128xf32>
    %slice3A_89 = vector.extract_strided_slice %concatenate3A {offsets = [117, 0], sizes = [3246, 128], strides = [1, 1]} : vector<3364x128xf32> to vector<3246x128xf32>
    %get3A_90 = arith.constant 7 : index
    %get3A_91 = arith.constant 0 : index
    %get3A_92 = arith.constant 0 : index
    %get3A_93 = vector.load %arg2[%get3A_90, %get3A_91, %get3A_92] : memref<9x128x128xf32, #tpu.memory_space<vmem>>, vector<1x128x128xf32>
    %get3A_94 = vector.shape_cast %get3A_93 : vector<1x128x128xf32> to vector<128x128xf32>
    %dot_general3A_95 = arith.constant dense<0.000000e+00> : vector<3246x128xf32>
    %dot_general3A_96 = tpu.matmul %slice3A_89, %get3A_94, %dot_general3A_95 {dimension_numbers = #tpu.dot_dimension_numbers<[1], [0], [0], [1], [0, 0, 1, 1], [], []>, transpose_lhs_hint = false} : vector<3246x128xf32>, vector<128x128xf32>, vector<3246x128xf32> -> vector<3246x128xf32>
    %add3A_97 = arith.addf %add3A_88, %dot_general3A_96 : vector<3246x128xf32>
    %slice3A_98 = vector.extract_strided_slice %concatenate3A {offsets = [118, 0], sizes = [3246, 128], strides = [1, 1]} : vector<3364x128xf32> to vector<3246x128xf32>
    %get3A_99 = arith.constant 8 : index
    %get3A_100 = arith.constant 0 : index
    %get3A_101 = arith.constant 0 : index
    %get3A_102 = vector.load %arg2[%get3A_99, %get3A_100, %get3A_101] : memref<9x128x128xf32, #tpu.memory_space<vmem>>, vector<1x128x128xf32>
    %get3A_103 = vector.shape_cast %get3A_102 : vector<1x128x128xf32> to vector<128x128xf32>
    %dot_general3A_104 = arith.constant dense<0.000000e+00> : vector<3246x128xf32>
    %dot_general3A_105 = tpu.matmul %slice3A_98, %get3A_103, %dot_general3A_104 {dimension_numbers = #tpu.dot_dimension_numbers<[1], [0], [0], [1], [0, 0, 1, 1], [], []>, transpose_lhs_hint = false} : vector<3246x128xf32>, vector<128x128xf32>, vector<3246x128xf32> -> vector<3246x128xf32>
    %add3A_106 = arith.addf %add3A_97, %dot_general3A_105 : vector<3246x128xf32>
    %get3A_107 = arith.constant 0 : index
    %get3A_108 = arith.constant 0 : index
    %get3A_109 = vector.load %arg3[%get3A_107, %get3A_108] : memref<1x128xf32, #tpu.memory_space<vmem>>, vector<1x128xf32>
    %add3A_110 = vector.broadcast %get3A_109 : vector<1x128xf32> to vector<3246x128xf32>
    %add3A_111 = arith.addf %add3A_106, %add3A_110 : vector<3246x128xf32>
    %mul3A_112 = vector.broadcast %convert_element_type3A_22 : vector<3246x1xf32> to vector<3246x128xf32>
    %mul3A_113 = arith.mulf %add3A_111, %mul3A_112 : vector<3246x128xf32>
    %broadcast_in_dim3A_114 = arith.constant 0.000000e+00 : f32
    %broadcast_in_dim3A_115 = vector.broadcast %broadcast_in_dim3A_114 : f32 to vector<59x128xf32>
    %concatenate3A_116 = tpu.concatenate %broadcast_in_dim3A_115, %mul3A_113, %broadcast_in_dim3A_115 in 0 : vector<59x128xf32>, vector<3246x128xf32>, vector<59x128xf32> -> vector<3364x128xf32>
    %max3A = arith.constant 0.000000e+00 : f32
    %max3A_117 = vector.broadcast %max3A : f32 to vector<3364x128xf32>
    %max3A_118 = arith.maximumf %concatenate3A_116, %max3A_117 : vector<3364x128xf32>
    %slice3A_119 = vector.extract_strided_slice %max3A_118 {offsets = [0, 0], sizes = [3246, 128], strides = [1, 1]} : vector<3364x128xf32> to vector<3246x128xf32>
    %get3A_120 = arith.constant 0 : index
    %get3A_121 = arith.constant 0 : index
    %get3A_122 = arith.constant 0 : index
    %get3A_123 = vector.load %arg4[%get3A_120, %get3A_121, %get3A_122] : memref<9x128x32xf32, #tpu.memory_space<vmem>>, vector<1x128x32xf32>
    %get3A_124 = vector.shape_cast %get3A_123 : vector<1x128x32xf32> to vector<128x32xf32>
    %dot_general3A_125 = arith.constant dense<0.000000e+00> : vector<3246x32xf32>
    %dot_general3A_126 = tpu.matmul %slice3A_119, %get3A_124, %dot_general3A_125 {dimension_numbers = #tpu.dot_dimension_numbers<[1], [0], [0], [1], [0, 0, 1, 1], [], []>, transpose_lhs_hint = false} : vector<3246x128xf32>, vector<128x32xf32>, vector<3246x32xf32> -> vector<3246x32xf32>
    %slice3A_127 = vector.extract_strided_slice %max3A_118 {offsets = [1, 0], sizes = [3246, 128], strides = [1, 1]} : vector<3364x128xf32> to vector<3246x128xf32>
    %get3A_128 = arith.constant 1 : index
    %get3A_129 = arith.constant 0 : index
    %get3A_130 = arith.constant 0 : index
    %get3A_131 = vector.load %arg4[%get3A_128, %get3A_129, %get3A_130] : memref<9x128x32xf32, #tpu.memory_space<vmem>>, vector<1x128x32xf32>
    %get3A_132 = vector.shape_cast %get3A_131 : vector<1x128x32xf32> to vector<128x32xf32>
    %dot_general3A_133 = arith.constant dense<0.000000e+00> : vector<3246x32xf32>
    %dot_general3A_134 = tpu.matmul %slice3A_127, %get3A_132, %dot_general3A_133 {dimension_numbers = #tpu.dot_dimension_numbers<[1], [0], [0], [1], [0, 0, 1, 1], [], []>, transpose_lhs_hint = false} : vector<3246x128xf32>, vector<128x32xf32>, vector<3246x32xf32> -> vector<3246x32xf32>
    %add3A_135 = arith.addf %dot_general3A_126, %dot_general3A_134 : vector<3246x32xf32>
    %slice3A_136 = vector.extract_strided_slice %max3A_118 {offsets = [2, 0], sizes = [3246, 128], strides = [1, 1]} : vector<3364x128xf32> to vector<3246x128xf32>
    %get3A_137 = arith.constant 2 : index
    %get3A_138 = arith.constant 0 : index
    %get3A_139 = arith.constant 0 : index
    %get3A_140 = vector.load %arg4[%get3A_137, %get3A_138, %get3A_139] : memref<9x128x32xf32, #tpu.memory_space<vmem>>, vector<1x128x32xf32>
    %get3A_141 = vector.shape_cast %get3A_140 : vector<1x128x32xf32> to vector<128x32xf32>
    %dot_general3A_142 = arith.constant dense<0.000000e+00> : vector<3246x32xf32>
    %dot_general3A_143 = tpu.matmul %slice3A_136, %get3A_141, %dot_general3A_142 {dimension_numbers = #tpu.dot_dimension_numbers<[1], [0], [0], [1], [0, 0, 1, 1], [], []>, transpose_lhs_hint = false} : vector<3246x128xf32>, vector<128x32xf32>, vector<3246x32xf32> -> vector<3246x32xf32>
    %add3A_144 = arith.addf %add3A_135, %dot_general3A_143 : vector<3246x32xf32>
    %slice3A_145 = vector.extract_strided_slice %max3A_118 {offsets = [58, 0], sizes = [3246, 128], strides = [1, 1]} : vector<3364x128xf32> to vector<3246x128xf32>
    %get3A_146 = arith.constant 3 : index
    %get3A_147 = arith.constant 0 : index
    %get3A_148 = arith.constant 0 : index
    %get3A_149 = vector.load %arg4[%get3A_146, %get3A_147, %get3A_148] : memref<9x128x32xf32, #tpu.memory_space<vmem>>, vector<1x128x32xf32>
    %get3A_150 = vector.shape_cast %get3A_149 : vector<1x128x32xf32> to vector<128x32xf32>
    %dot_general3A_151 = arith.constant dense<0.000000e+00> : vector<3246x32xf32>
    %dot_general3A_152 = tpu.matmul %slice3A_145, %get3A_150, %dot_general3A_151 {dimension_numbers = #tpu.dot_dimension_numbers<[1], [0], [0], [1], [0, 0, 1, 1], [], []>, transpose_lhs_hint = false} : vector<3246x128xf32>, vector<128x32xf32>, vector<3246x32xf32> -> vector<3246x32xf32>
    %add3A_153 = arith.addf %add3A_144, %dot_general3A_152 : vector<3246x32xf32>
    %slice3A_154 = vector.extract_strided_slice %max3A_118 {offsets = [59, 0], sizes = [3246, 128], strides = [1, 1]} : vector<3364x128xf32> to vector<3246x128xf32>
    %get3A_155 = arith.constant 4 : index
    %get3A_156 = arith.constant 0 : index
    %get3A_157 = arith.constant 0 : index
    %get3A_158 = vector.load %arg4[%get3A_155, %get3A_156, %get3A_157] : memref<9x128x32xf32, #tpu.memory_space<vmem>>, vector<1x128x32xf32>
    %get3A_159 = vector.shape_cast %get3A_158 : vector<1x128x32xf32> to vector<128x32xf32>
    %dot_general3A_160 = arith.constant dense<0.000000e+00> : vector<3246x32xf32>
    %dot_general3A_161 = tpu.matmul %slice3A_154, %get3A_159, %dot_general3A_160 {dimension_numbers = #tpu.dot_dimension_numbers<[1], [0], [0], [1], [0, 0, 1, 1], [], []>, transpose_lhs_hint = false} : vector<3246x128xf32>, vector<128x32xf32>, vector<3246x32xf32> -> vector<3246x32xf32>
    %add3A_162 = arith.addf %add3A_153, %dot_general3A_161 : vector<3246x32xf32>
    %slice3A_163 = vector.extract_strided_slice %max3A_118 {offsets = [60, 0], sizes = [3246, 128], strides = [1, 1]} : vector<3364x128xf32> to vector<3246x128xf32>
    %get3A_164 = arith.constant 5 : index
    %get3A_165 = arith.constant 0 : index
    %get3A_166 = arith.constant 0 : index
    %get3A_167 = vector.load %arg4[%get3A_164, %get3A_165, %get3A_166] : memref<9x128x32xf32, #tpu.memory_space<vmem>>, vector<1x128x32xf32>
    %get3A_168 = vector.shape_cast %get3A_167 : vector<1x128x32xf32> to vector<128x32xf32>
    %dot_general3A_169 = arith.constant dense<0.000000e+00> : vector<3246x32xf32>
    %dot_general3A_170 = tpu.matmul %slice3A_163, %get3A_168, %dot_general3A_169 {dimension_numbers = #tpu.dot_dimension_numbers<[1], [0], [0], [1], [0, 0, 1, 1], [], []>, transpose_lhs_hint = false} : vector<3246x128xf32>, vector<128x32xf32>, vector<3246x32xf32> -> vector<3246x32xf32>
    %add3A_171 = arith.addf %add3A_162, %dot_general3A_170 : vector<3246x32xf32>
    %slice3A_172 = vector.extract_strided_slice %max3A_118 {offsets = [116, 0], sizes = [3246, 128], strides = [1, 1]} : vector<3364x128xf32> to vector<3246x128xf32>
    %get3A_173 = arith.constant 6 : index
    %get3A_174 = arith.constant 0 : index
    %get3A_175 = arith.constant 0 : index
    %get3A_176 = vector.load %arg4[%get3A_173, %get3A_174, %get3A_175] : memref<9x128x32xf32, #tpu.memory_space<vmem>>, vector<1x128x32xf32>
    %get3A_177 = vector.shape_cast %get3A_176 : vector<1x128x32xf32> to vector<128x32xf32>
    %dot_general3A_178 = arith.constant dense<0.000000e+00> : vector<3246x32xf32>
    %dot_general3A_179 = tpu.matmul %slice3A_172, %get3A_177, %dot_general3A_178 {dimension_numbers = #tpu.dot_dimension_numbers<[1], [0], [0], [1], [0, 0, 1, 1], [], []>, transpose_lhs_hint = false} : vector<3246x128xf32>, vector<128x32xf32>, vector<3246x32xf32> -> vector<3246x32xf32>
    %add3A_180 = arith.addf %add3A_171, %dot_general3A_179 : vector<3246x32xf32>
    %slice3A_181 = vector.extract_strided_slice %max3A_118 {offsets = [117, 0], sizes = [3246, 128], strides = [1, 1]} : vector<3364x128xf32> to vector<3246x128xf32>
    %get3A_182 = arith.constant 7 : index
    %get3A_183 = arith.constant 0 : index
    %get3A_184 = arith.constant 0 : index
    %get3A_185 = vector.load %arg4[%get3A_182, %get3A_183, %get3A_184] : memref<9x128x32xf32, #tpu.memory_space<vmem>>, vector<1x128x32xf32>
    %get3A_186 = vector.shape_cast %get3A_185 : vector<1x128x32xf32> to vector<128x32xf32>
    %dot_general3A_187 = arith.constant dense<0.000000e+00> : vector<3246x32xf32>
    %dot_general3A_188 = tpu.matmul %slice3A_181, %get3A_186, %dot_general3A_187 {dimension_numbers = #tpu.dot_dimension_numbers<[1], [0], [0], [1], [0, 0, 1, 1], [], []>, transpose_lhs_hint = false} : vector<3246x128xf32>, vector<128x32xf32>, vector<3246x32xf32> -> vector<3246x32xf32>
    %add3A_189 = arith.addf %add3A_180, %dot_general3A_188 : vector<3246x32xf32>
    %slice3A_190 = vector.extract_strided_slice %max3A_118 {offsets = [118, 0], sizes = [3246, 128], strides = [1, 1]} : vector<3364x128xf32> to vector<3246x128xf32>
    %get3A_191 = arith.constant 8 : index
    %get3A_192 = arith.constant 0 : index
    %get3A_193 = arith.constant 0 : index
    %get3A_194 = vector.load %arg4[%get3A_191, %get3A_192, %get3A_193] : memref<9x128x32xf32, #tpu.memory_space<vmem>>, vector<1x128x32xf32>
    %get3A_195 = vector.shape_cast %get3A_194 : vector<1x128x32xf32> to vector<128x32xf32>
    %dot_general3A_196 = arith.constant dense<0.000000e+00> : vector<3246x32xf32>
    %dot_general3A_197 = tpu.matmul %slice3A_190, %get3A_195, %dot_general3A_196 {dimension_numbers = #tpu.dot_dimension_numbers<[1], [0], [0], [1], [0, 0, 1, 1], [], []>, transpose_lhs_hint = false} : vector<3246x128xf32>, vector<128x32xf32>, vector<3246x32xf32> -> vector<3246x32xf32>
    %add3A_198 = arith.addf %add3A_189, %dot_general3A_197 : vector<3246x32xf32>
    %max3A_199 = arith.constant 0.000000e+00 : f32
    %max3A_200 = vector.broadcast %max3A_199 : f32 to vector<3246x32xf32>
    %max3A_201 = arith.maximumf %add3A_198, %max3A_200 : vector<3246x32xf32>
    %get3A_202 = arith.constant 0 : index
    %get3A_203 = arith.constant 0 : index
    %get3A_204 = vector.load %arg5[%get3A_202, %get3A_203] : memref<32x128xf32, #tpu.memory_space<vmem>>, vector<32x128xf32>
    %dot_general3A_205 = arith.constant dense<0.000000e+00> : vector<3246x128xf32>
    %dot_general3A_206 = tpu.matmul %max3A_201, %get3A_204, %dot_general3A_205 {dimension_numbers = #tpu.dot_dimension_numbers<[1], [0], [0], [1], [0, 0, 1, 1], [], []>, transpose_lhs_hint = false} : vector<3246x32xf32>, vector<32x128xf32>, vector<3246x128xf32> -> vector<3246x128xf32>
    %add3A_207 = arith.addf %mul3A_113, %dot_general3A_206 : vector<3246x128xf32>
    %mul3A_208 = vector.broadcast %convert_element_type3A_22 : vector<3246x1xf32> to vector<3246x128xf32>
    %mul3A_209 = arith.mulf %add3A_207, %mul3A_208 : vector<3246x128xf32>
    %concatenate3A_210 = tpu.concatenate %broadcast_in_dim3A_115, %mul3A_209, %broadcast_in_dim3A_115 in 0 : vector<59x128xf32>, vector<3246x128xf32>, vector<59x128xf32> -> vector<3364x128xf32>
    %max3A_211 = arith.constant 0.000000e+00 : f32
    %max3A_212 = vector.broadcast %max3A_211 : f32 to vector<3364x128xf32>
    %max3A_213 = arith.maximumf %concatenate3A_210, %max3A_212 : vector<3364x128xf32>
    %slice3A_214 = vector.extract_strided_slice %max3A_213 {offsets = [0, 0], sizes = [3246, 128], strides = [1, 1]} : vector<3364x128xf32> to vector<3246x128xf32>
    %get3A_215 = arith.constant 0 : index
    %get3A_216 = arith.constant 0 : index
    %get3A_217 = arith.constant 0 : index
    %get3A_218 = vector.load %arg6[%get3A_215, %get3A_216, %get3A_217] : memref<9x128x32xf32, #tpu.memory_space<vmem>>, vector<1x128x32xf32>
    %get3A_219 = vector.shape_cast %get3A_218 : vector<1x128x32xf32> to vector<128x32xf32>
    %dot_general3A_220 = arith.constant dense<0.000000e+00> : vector<3246x32xf32>
    %dot_general3A_221 = tpu.matmul %slice3A_214, %get3A_219, %dot_general3A_220 {dimension_numbers = #tpu.dot_dimension_numbers<[1], [0], [0], [1], [0, 0, 1, 1], [], []>, transpose_lhs_hint = false} : vector<3246x128xf32>, vector<128x32xf32>, vector<3246x32xf32> -> vector<3246x32xf32>
    %slice3A_222 = vector.extract_strided_slice %max3A_213 {offsets = [1, 0], sizes = [3246, 128], strides = [1, 1]} : vector<3364x128xf32> to vector<3246x128xf32>
    %get3A_223 = arith.constant 1 : index
    %get3A_224 = arith.constant 0 : index
    %get3A_225 = arith.constant 0 : index
    %get3A_226 = vector.load %arg6[%get3A_223, %get3A_224, %get3A_225] : memref<9x128x32xf32, #tpu.memory_space<vmem>>, vector<1x128x32xf32>
    %get3A_227 = vector.shape_cast %get3A_226 : vector<1x128x32xf32> to vector<128x32xf32>
    %dot_general3A_228 = arith.constant dense<0.000000e+00> : vector<3246x32xf32>
    %dot_general3A_229 = tpu.matmul %slice3A_222, %get3A_227, %dot_general3A_228 {dimension_numbers = #tpu.dot_dimension_numbers<[1], [0], [0], [1], [0, 0, 1, 1], [], []>, transpose_lhs_hint = false} : vector<3246x128xf32>, vector<128x32xf32>, vector<3246x32xf32> -> vector<3246x32xf32>
    %add3A_230 = arith.addf %dot_general3A_221, %dot_general3A_229 : vector<3246x32xf32>
    %slice3A_231 = vector.extract_strided_slice %max3A_213 {offsets = [2, 0], sizes = [3246, 128], strides = [1, 1]} : vector<3364x128xf32> to vector<3246x128xf32>
    %get3A_232 = arith.constant 2 : index
    %get3A_233 = arith.constant 0 : index
    %get3A_234 = arith.constant 0 : index
    %get3A_235 = vector.load %arg6[%get3A_232, %get3A_233, %get3A_234] : memref<9x128x32xf32, #tpu.memory_space<vmem>>, vector<1x128x32xf32>
    %get3A_236 = vector.shape_cast %get3A_235 : vector<1x128x32xf32> to vector<128x32xf32>
    %dot_general3A_237 = arith.constant dense<0.000000e+00> : vector<3246x32xf32>
    %dot_general3A_238 = tpu.matmul %slice3A_231, %get3A_236, %dot_general3A_237 {dimension_numbers = #tpu.dot_dimension_numbers<[1], [0], [0], [1], [0, 0, 1, 1], [], []>, transpose_lhs_hint = false} : vector<3246x128xf32>, vector<128x32xf32>, vector<3246x32xf32> -> vector<3246x32xf32>
    %add3A_239 = arith.addf %add3A_230, %dot_general3A_238 : vector<3246x32xf32>
    %slice3A_240 = vector.extract_strided_slice %max3A_213 {offsets = [58, 0], sizes = [3246, 128], strides = [1, 1]} : vector<3364x128xf32> to vector<3246x128xf32>
    %get3A_241 = arith.constant 3 : index
    %get3A_242 = arith.constant 0 : index
    %get3A_243 = arith.constant 0 : index
    %get3A_244 = vector.load %arg6[%get3A_241, %get3A_242, %get3A_243] : memref<9x128x32xf32, #tpu.memory_space<vmem>>, vector<1x128x32xf32>
    %get3A_245 = vector.shape_cast %get3A_244 : vector<1x128x32xf32> to vector<128x32xf32>
    %dot_general3A_246 = arith.constant dense<0.000000e+00> : vector<3246x32xf32>
    %dot_general3A_247 = tpu.matmul %slice3A_240, %get3A_245, %dot_general3A_246 {dimension_numbers = #tpu.dot_dimension_numbers<[1], [0], [0], [1], [0, 0, 1, 1], [], []>, transpose_lhs_hint = false} : vector<3246x128xf32>, vector<128x32xf32>, vector<3246x32xf32> -> vector<3246x32xf32>
    %add3A_248 = arith.addf %add3A_239, %dot_general3A_247 : vector<3246x32xf32>
    %slice3A_249 = vector.extract_strided_slice %max3A_213 {offsets = [59, 0], sizes = [3246, 128], strides = [1, 1]} : vector<3364x128xf32> to vector<3246x128xf32>
    %get3A_250 = arith.constant 4 : index
    %get3A_251 = arith.constant 0 : index
    %get3A_252 = arith.constant 0 : index
    %get3A_253 = vector.load %arg6[%get3A_250, %get3A_251, %get3A_252] : memref<9x128x32xf32, #tpu.memory_space<vmem>>, vector<1x128x32xf32>
    %get3A_254 = vector.shape_cast %get3A_253 : vector<1x128x32xf32> to vector<128x32xf32>
    %dot_general3A_255 = arith.constant dense<0.000000e+00> : vector<3246x32xf32>
    %dot_general3A_256 = tpu.matmul %slice3A_249, %get3A_254, %dot_general3A_255 {dimension_numbers = #tpu.dot_dimension_numbers<[1], [0], [0], [1], [0, 0, 1, 1], [], []>, transpose_lhs_hint = false} : vector<3246x128xf32>, vector<128x32xf32>, vector<3246x32xf32> -> vector<3246x32xf32>
    %add3A_257 = arith.addf %add3A_248, %dot_general3A_256 : vector<3246x32xf32>
    %slice3A_258 = vector.extract_strided_slice %max3A_213 {offsets = [60, 0], sizes = [3246, 128], strides = [1, 1]} : vector<3364x128xf32> to vector<3246x128xf32>
    %get3A_259 = arith.constant 5 : index
    %get3A_260 = arith.constant 0 : index
    %get3A_261 = arith.constant 0 : index
    %get3A_262 = vector.load %arg6[%get3A_259, %get3A_260, %get3A_261] : memref<9x128x32xf32, #tpu.memory_space<vmem>>, vector<1x128x32xf32>
    %get3A_263 = vector.shape_cast %get3A_262 : vector<1x128x32xf32> to vector<128x32xf32>
    %dot_general3A_264 = arith.constant dense<0.000000e+00> : vector<3246x32xf32>
    %dot_general3A_265 = tpu.matmul %slice3A_258, %get3A_263, %dot_general3A_264 {dimension_numbers = #tpu.dot_dimension_numbers<[1], [0], [0], [1], [0, 0, 1, 1], [], []>, transpose_lhs_hint = false} : vector<3246x128xf32>, vector<128x32xf32>, vector<3246x32xf32> -> vector<3246x32xf32>
    %add3A_266 = arith.addf %add3A_257, %dot_general3A_265 : vector<3246x32xf32>
    %slice3A_267 = vector.extract_strided_slice %max3A_213 {offsets = [116, 0], sizes = [3246, 128], strides = [1, 1]} : vector<3364x128xf32> to vector<3246x128xf32>
    %get3A_268 = arith.constant 6 : index
    %get3A_269 = arith.constant 0 : index
    %get3A_270 = arith.constant 0 : index
    %get3A_271 = vector.load %arg6[%get3A_268, %get3A_269, %get3A_270] : memref<9x128x32xf32, #tpu.memory_space<vmem>>, vector<1x128x32xf32>
    %get3A_272 = vector.shape_cast %get3A_271 : vector<1x128x32xf32> to vector<128x32xf32>
    %dot_general3A_273 = arith.constant dense<0.000000e+00> : vector<3246x32xf32>
    %dot_general3A_274 = tpu.matmul %slice3A_267, %get3A_272, %dot_general3A_273 {dimension_numbers = #tpu.dot_dimension_numbers<[1], [0], [0], [1], [0, 0, 1, 1], [], []>, transpose_lhs_hint = false} : vector<3246x128xf32>, vector<128x32xf32>, vector<3246x32xf32> -> vector<3246x32xf32>
    %add3A_275 = arith.addf %add3A_266, %dot_general3A_274 : vector<3246x32xf32>
    %slice3A_276 = vector.extract_strided_slice %max3A_213 {offsets = [117, 0], sizes = [3246, 128], strides = [1, 1]} : vector<3364x128xf32> to vector<3246x128xf32>
    %get3A_277 = arith.constant 7 : index
    %get3A_278 = arith.constant 0 : index
    %get3A_279 = arith.constant 0 : index
    %get3A_280 = vector.load %arg6[%get3A_277, %get3A_278, %get3A_279] : memref<9x128x32xf32, #tpu.memory_space<vmem>>, vector<1x128x32xf32>
    %get3A_281 = vector.shape_cast %get3A_280 : vector<1x128x32xf32> to vector<128x32xf32>
    %dot_general3A_282 = arith.constant dense<0.000000e+00> : vector<3246x32xf32>
    %dot_general3A_283 = tpu.matmul %slice3A_276, %get3A_281, %dot_general3A_282 {dimension_numbers = #tpu.dot_dimension_numbers<[1], [0], [0], [1], [0, 0, 1, 1], [], []>, transpose_lhs_hint = false} : vector<3246x128xf32>, vector<128x32xf32>, vector<3246x32xf32> -> vector<3246x32xf32>
    %add3A_284 = arith.addf %add3A_275, %dot_general3A_283 : vector<3246x32xf32>
    %slice3A_285 = vector.extract_strided_slice %max3A_213 {offsets = [118, 0], sizes = [3246, 128], strides = [1, 1]} : vector<3364x128xf32> to vector<3246x128xf32>
    %get3A_286 = arith.constant 8 : index
    %get3A_287 = arith.constant 0 : index
    %get3A_288 = arith.constant 0 : index
    %get3A_289 = vector.load %arg6[%get3A_286, %get3A_287, %get3A_288] : memref<9x128x32xf32, #tpu.memory_space<vmem>>, vector<1x128x32xf32>
    %get3A_290 = vector.shape_cast %get3A_289 : vector<1x128x32xf32> to vector<128x32xf32>
    %dot_general3A_291 = arith.constant dense<0.000000e+00> : vector<3246x32xf32>
    %dot_general3A_292 = tpu.matmul %slice3A_285, %get3A_290, %dot_general3A_291 {dimension_numbers = #tpu.dot_dimension_numbers<[1], [0], [0], [1], [0, 0, 1, 1], [], []>, transpose_lhs_hint = false} : vector<3246x128xf32>, vector<128x32xf32>, vector<3246x32xf32> -> vector<3246x32xf32>
    %add3A_293 = arith.addf %add3A_284, %dot_general3A_292 : vector<3246x32xf32>
    %max3A_294 = arith.constant 0.000000e+00 : f32
    %max3A_295 = vector.broadcast %max3A_294 : f32 to vector<3246x32xf32>
    %max3A_296 = arith.maximumf %add3A_293, %max3A_295 : vector<3246x32xf32>
    %get3A_297 = arith.constant 0 : index
    %get3A_298 = arith.constant 0 : index
    %get3A_299 = vector.load %arg7[%get3A_297, %get3A_298] : memref<32x128xf32, #tpu.memory_space<vmem>>, vector<32x128xf32>
    %dot_general3A_300 = arith.constant dense<0.000000e+00> : vector<3246x128xf32>
    %dot_general3A_301 = tpu.matmul %max3A_296, %get3A_299, %dot_general3A_300 {dimension_numbers = #tpu.dot_dimension_numbers<[1], [0], [0], [1], [0, 0, 1, 1], [], []>, transpose_lhs_hint = false} : vector<3246x32xf32>, vector<32x128xf32>, vector<3246x128xf32> -> vector<3246x128xf32>
    %add3A_302 = arith.addf %mul3A_209, %dot_general3A_301 : vector<3246x128xf32>
    %mul3A_303 = vector.broadcast %convert_element_type3A_22 : vector<3246x1xf32> to vector<3246x128xf32>
    %mul3A_304 = arith.mulf %add3A_302, %mul3A_303 : vector<3246x128xf32>
    %max3A_305 = arith.constant 0.000000e+00 : f32
    %max3A_306 = vector.broadcast %max3A_305 : f32 to vector<3246x128xf32>
    %max3A_307 = arith.maximumf %mul3A_304, %max3A_306 : vector<3246x128xf32>
    %broadcast_in_dim3A_308 = arith.constant 0.000000e+00 : f32
    %broadcast_in_dim3A_309 = vector.broadcast %broadcast_in_dim3A_308 : f32 to vector<59x128xf32>
    %concatenate3A_310 = tpu.concatenate %broadcast_in_dim3A_309, %max3A_307, %broadcast_in_dim3A_309 in 0 : vector<59x128xf32>, vector<3246x128xf32>, vector<59x128xf32> -> vector<3364x128xf32>
    %get3A_311 = arith.constant 0 : index
    %get3A_312 = arith.constant 0 : index
    %get3A_313 = vector.load %arg9[%get3A_311, %get3A_312] : memref<1x64xf32, #tpu.memory_space<vmem>>, vector<1x64xf32>
    %slice3A_314 = vector.extract_strided_slice %concatenate3A_310 {offsets = [0, 0], sizes = [3246, 128], strides = [1, 1]} : vector<3364x128xf32> to vector<3246x128xf32>
    %get3A_315 = arith.constant 0 : index
    %get3A_316 = arith.constant 0 : index
    %get3A_317 = arith.constant 0 : index
    %get3A_318 = arith.constant 0 : index
    %get3A_319 = vector.load %arg8[%get3A_315, %get3A_316, %get3A_317, %get3A_318] : memref<4x4x128x64xf32, #tpu.memory_space<vmem>>, vector<1x1x128x64xf32>
    %get3A_320 = vector.shape_cast %get3A_319 : vector<1x1x128x64xf32> to vector<128x64xf32>
    %dot_general3A_321 = arith.constant dense<0.000000e+00> : vector<3246x64xf32>
    %dot_general3A_322 = tpu.matmul %slice3A_314, %get3A_320, %dot_general3A_321 {dimension_numbers = #tpu.dot_dimension_numbers<[1], [0], [0], [1], [0, 0, 1, 1], [], []>, transpose_lhs_hint = false} : vector<3246x128xf32>, vector<128x64xf32>, vector<3246x64xf32> -> vector<3246x64xf32>
    %slice3A_323 = vector.extract_strided_slice %concatenate3A_310 {offsets = [1, 0], sizes = [3246, 128], strides = [1, 1]} : vector<3364x128xf32> to vector<3246x128xf32>
    %get3A_324 = arith.constant 0 : index
    %get3A_325 = arith.constant 1 : index
    %get3A_326 = arith.constant 0 : index
    %get3A_327 = arith.constant 0 : index
    %get3A_328 = vector.load %arg8[%get3A_324, %get3A_325, %get3A_326, %get3A_327] : memref<4x4x128x64xf32, #tpu.memory_space<vmem>>, vector<1x1x128x64xf32>
    %get3A_329 = vector.shape_cast %get3A_328 : vector<1x1x128x64xf32> to vector<128x64xf32>
    %dot_general3A_330 = arith.constant dense<0.000000e+00> : vector<3246x64xf32>
    %dot_general3A_331 = tpu.matmul %slice3A_323, %get3A_329, %dot_general3A_330 {dimension_numbers = #tpu.dot_dimension_numbers<[1], [0], [0], [1], [0, 0, 1, 1], [], []>, transpose_lhs_hint = false} : vector<3246x128xf32>, vector<128x64xf32>, vector<3246x64xf32> -> vector<3246x64xf32>
    %add3A_332 = arith.addf %dot_general3A_322, %dot_general3A_331 : vector<3246x64xf32>
    %slice3A_333 = vector.extract_strided_slice %concatenate3A_310 {offsets = [58, 0], sizes = [3246, 128], strides = [1, 1]} : vector<3364x128xf32> to vector<3246x128xf32>
    %get3A_334 = arith.constant 0 : index
    %get3A_335 = arith.constant 2 : index
    %get3A_336 = arith.constant 0 : index
    %get3A_337 = arith.constant 0 : index
    %get3A_338 = vector.load %arg8[%get3A_334, %get3A_335, %get3A_336, %get3A_337] : memref<4x4x128x64xf32, #tpu.memory_space<vmem>>, vector<1x1x128x64xf32>
    %get3A_339 = vector.shape_cast %get3A_338 : vector<1x1x128x64xf32> to vector<128x64xf32>
    %dot_general3A_340 = arith.constant dense<0.000000e+00> : vector<3246x64xf32>
    %dot_general3A_341 = tpu.matmul %slice3A_333, %get3A_339, %dot_general3A_340 {dimension_numbers = #tpu.dot_dimension_numbers<[1], [0], [0], [1], [0, 0, 1, 1], [], []>, transpose_lhs_hint = false} : vector<3246x128xf32>, vector<128x64xf32>, vector<3246x64xf32> -> vector<3246x64xf32>
    %add3A_342 = arith.addf %add3A_332, %dot_general3A_341 : vector<3246x64xf32>
    %slice3A_343 = vector.extract_strided_slice %concatenate3A_310 {offsets = [59, 0], sizes = [3246, 128], strides = [1, 1]} : vector<3364x128xf32> to vector<3246x128xf32>
    %get3A_344 = arith.constant 0 : index
    %get3A_345 = arith.constant 3 : index
    %get3A_346 = arith.constant 0 : index
    %get3A_347 = arith.constant 0 : index
    %get3A_348 = vector.load %arg8[%get3A_344, %get3A_345, %get3A_346, %get3A_347] : memref<4x4x128x64xf32, #tpu.memory_space<vmem>>, vector<1x1x128x64xf32>
    %get3A_349 = vector.shape_cast %get3A_348 : vector<1x1x128x64xf32> to vector<128x64xf32>
    %dot_general3A_350 = arith.constant dense<0.000000e+00> : vector<3246x64xf32>
    %dot_general3A_351 = tpu.matmul %slice3A_343, %get3A_349, %dot_general3A_350 {dimension_numbers = #tpu.dot_dimension_numbers<[1], [0], [0], [1], [0, 0, 1, 1], [], []>, transpose_lhs_hint = false} : vector<3246x128xf32>, vector<128x64xf32>, vector<3246x64xf32> -> vector<3246x64xf32>
    %add3A_352 = arith.addf %add3A_342, %dot_general3A_351 : vector<3246x64xf32>
    %add3A_353 = vector.broadcast %get3A_313 : vector<1x64xf32> to vector<3246x64xf32>
    %add3A_354 = arith.addf %add3A_352, %add3A_353 : vector<3246x64xf32>
    %max3A_355 = arith.constant 0.000000e+00 : f32
    %max3A_356 = vector.broadcast %max3A_355 : f32 to vector<3246x64xf32>
    %max3A_357 = arith.maximumf %add3A_354, %max3A_356 : vector<3246x64xf32>
    %slice3A_358 = vector.extract_strided_slice %concatenate3A_310 {offsets = [1, 0], sizes = [3246, 128], strides = [1, 1]} : vector<3364x128xf32> to vector<3246x128xf32>
    %get3A_359 = arith.constant 1 : index
    %get3A_360 = arith.constant 0 : index
    %get3A_361 = arith.constant 0 : index
    %get3A_362 = arith.constant 0 : index
    %get3A_363 = vector.load %arg8[%get3A_359, %get3A_360, %get3A_361, %get3A_362] : memref<4x4x128x64xf32, #tpu.memory_space<vmem>>, vector<1x1x128x64xf32>
    %get3A_364 = vector.shape_cast %get3A_363 : vector<1x1x128x64xf32> to vector<128x64xf32>
    %dot_general3A_365 = arith.constant dense<0.000000e+00> : vector<3246x64xf32>
    %dot_general3A_366 = tpu.matmul %slice3A_358, %get3A_364, %dot_general3A_365 {dimension_numbers = #tpu.dot_dimension_numbers<[1], [0], [0], [1], [0, 0, 1, 1], [], []>, transpose_lhs_hint = false} : vector<3246x128xf32>, vector<128x64xf32>, vector<3246x64xf32> -> vector<3246x64xf32>
    %slice3A_367 = vector.extract_strided_slice %concatenate3A_310 {offsets = [2, 0], sizes = [3246, 128], strides = [1, 1]} : vector<3364x128xf32> to vector<3246x128xf32>
    %get3A_368 = arith.constant 1 : index
    %get3A_369 = arith.constant 1 : index
    %get3A_370 = arith.constant 0 : index
    %get3A_371 = arith.constant 0 : index
    %get3A_372 = vector.load %arg8[%get3A_368, %get3A_369, %get3A_370, %get3A_371] : memref<4x4x128x64xf32, #tpu.memory_space<vmem>>, vector<1x1x128x64xf32>
    %get3A_373 = vector.shape_cast %get3A_372 : vector<1x1x128x64xf32> to vector<128x64xf32>
    %dot_general3A_374 = arith.constant dense<0.000000e+00> : vector<3246x64xf32>
    %dot_general3A_375 = tpu.matmul %slice3A_367, %get3A_373, %dot_general3A_374 {dimension_numbers = #tpu.dot_dimension_numbers<[1], [0], [0], [1], [0, 0, 1, 1], [], []>, transpose_lhs_hint = false} : vector<3246x128xf32>, vector<128x64xf32>, vector<3246x64xf32> -> vector<3246x64xf32>
    %add3A_376 = arith.addf %dot_general3A_366, %dot_general3A_375 : vector<3246x64xf32>
    %slice3A_377 = vector.extract_strided_slice %concatenate3A_310 {offsets = [59, 0], sizes = [3246, 128], strides = [1, 1]} : vector<3364x128xf32> to vector<3246x128xf32>
    %get3A_378 = arith.constant 1 : index
    %get3A_379 = arith.constant 2 : index
    %get3A_380 = arith.constant 0 : index
    %get3A_381 = arith.constant 0 : index
    %get3A_382 = vector.load %arg8[%get3A_378, %get3A_379, %get3A_380, %get3A_381] : memref<4x4x128x64xf32, #tpu.memory_space<vmem>>, vector<1x1x128x64xf32>
    %get3A_383 = vector.shape_cast %get3A_382 : vector<1x1x128x64xf32> to vector<128x64xf32>
    %dot_general3A_384 = arith.constant dense<0.000000e+00> : vector<3246x64xf32>
    %dot_general3A_385 = tpu.matmul %slice3A_377, %get3A_383, %dot_general3A_384 {dimension_numbers = #tpu.dot_dimension_numbers<[1], [0], [0], [1], [0, 0, 1, 1], [], []>, transpose_lhs_hint = false} : vector<3246x128xf32>, vector<128x64xf32>, vector<3246x64xf32> -> vector<3246x64xf32>
    %add3A_386 = arith.addf %add3A_376, %dot_general3A_385 : vector<3246x64xf32>
    %slice3A_387 = vector.extract_strided_slice %concatenate3A_310 {offsets = [60, 0], sizes = [3246, 128], strides = [1, 1]} : vector<3364x128xf32> to vector<3246x128xf32>
    %get3A_388 = arith.constant 1 : index
    %get3A_389 = arith.constant 3 : index
    %get3A_390 = arith.constant 0 : index
    %get3A_391 = arith.constant 0 : index
    %get3A_392 = vector.load %arg8[%get3A_388, %get3A_389, %get3A_390, %get3A_391] : memref<4x4x128x64xf32, #tpu.memory_space<vmem>>, vector<1x1x128x64xf32>
    %get3A_393 = vector.shape_cast %get3A_392 : vector<1x1x128x64xf32> to vector<128x64xf32>
    %dot_general3A_394 = arith.constant dense<0.000000e+00> : vector<3246x64xf32>
    %dot_general3A_395 = tpu.matmul %slice3A_387, %get3A_393, %dot_general3A_394 {dimension_numbers = #tpu.dot_dimension_numbers<[1], [0], [0], [1], [0, 0, 1, 1], [], []>, transpose_lhs_hint = false} : vector<3246x128xf32>, vector<128x64xf32>, vector<3246x64xf32> -> vector<3246x64xf32>
    %add3A_396 = arith.addf %add3A_386, %dot_general3A_395 : vector<3246x64xf32>
    %add3A_397 = vector.broadcast %get3A_313 : vector<1x64xf32> to vector<3246x64xf32>
    %add3A_398 = arith.addf %add3A_396, %add3A_397 : vector<3246x64xf32>
    %max3A_399 = arith.constant 0.000000e+00 : f32
    %max3A_400 = vector.broadcast %max3A_399 : f32 to vector<3246x64xf32>
    %max3A_401 = arith.maximumf %add3A_398, %max3A_400 : vector<3246x64xf32>
    %slice3A_402 = vector.extract_strided_slice %concatenate3A_310 {offsets = [58, 0], sizes = [3246, 128], strides = [1, 1]} : vector<3364x128xf32> to vector<3246x128xf32>
    %get3A_403 = arith.constant 2 : index
    %get3A_404 = arith.constant 0 : index
    %get3A_405 = arith.constant 0 : index
    %get3A_406 = arith.constant 0 : index
    %get3A_407 = vector.load %arg8[%get3A_403, %get3A_404, %get3A_405, %get3A_406] : memref<4x4x128x64xf32, #tpu.memory_space<vmem>>, vector<1x1x128x64xf32>
    %get3A_408 = vector.shape_cast %get3A_407 : vector<1x1x128x64xf32> to vector<128x64xf32>
    %dot_general3A_409 = arith.constant dense<0.000000e+00> : vector<3246x64xf32>
    %dot_general3A_410 = tpu.matmul %slice3A_402, %get3A_408, %dot_general3A_409 {dimension_numbers = #tpu.dot_dimension_numbers<[1], [0], [0], [1], [0, 0, 1, 1], [], []>, transpose_lhs_hint = false} : vector<3246x128xf32>, vector<128x64xf32>, vector<3246x64xf32> -> vector<3246x64xf32>
    %slice3A_411 = vector.extract_strided_slice %concatenate3A_310 {offsets = [59, 0], sizes = [3246, 128], strides = [1, 1]} : vector<3364x128xf32> to vector<3246x128xf32>
    %get3A_412 = arith.constant 2 : index
    %get3A_413 = arith.constant 1 : index
    %get3A_414 = arith.constant 0 : index
    %get3A_415 = arith.constant 0 : index
    %get3A_416 = vector.load %arg8[%get3A_412, %get3A_413, %get3A_414, %get3A_415] : memref<4x4x128x64xf32, #tpu.memory_space<vmem>>, vector<1x1x128x64xf32>
    %get3A_417 = vector.shape_cast %get3A_416 : vector<1x1x128x64xf32> to vector<128x64xf32>
    %dot_general3A_418 = arith.constant dense<0.000000e+00> : vector<3246x64xf32>
    %dot_general3A_419 = tpu.matmul %slice3A_411, %get3A_417, %dot_general3A_418 {dimension_numbers = #tpu.dot_dimension_numbers<[1], [0], [0], [1], [0, 0, 1, 1], [], []>, transpose_lhs_hint = false} : vector<3246x128xf32>, vector<128x64xf32>, vector<3246x64xf32> -> vector<3246x64xf32>
    %add3A_420 = arith.addf %dot_general3A_410, %dot_general3A_419 : vector<3246x64xf32>
    %slice3A_421 = vector.extract_strided_slice %concatenate3A_310 {offsets = [116, 0], sizes = [3246, 128], strides = [1, 1]} : vector<3364x128xf32> to vector<3246x128xf32>
    %get3A_422 = arith.constant 2 : index
    %get3A_423 = arith.constant 2 : index
    %get3A_424 = arith.constant 0 : index
    %get3A_425 = arith.constant 0 : index
    %get3A_426 = vector.load %arg8[%get3A_422, %get3A_423, %get3A_424, %get3A_425] : memref<4x4x128x64xf32, #tpu.memory_space<vmem>>, vector<1x1x128x64xf32>
    %get3A_427 = vector.shape_cast %get3A_426 : vector<1x1x128x64xf32> to vector<128x64xf32>
    %dot_general3A_428 = arith.constant dense<0.000000e+00> : vector<3246x64xf32>
    %dot_general3A_429 = tpu.matmul %slice3A_421, %get3A_427, %dot_general3A_428 {dimension_numbers = #tpu.dot_dimension_numbers<[1], [0], [0], [1], [0, 0, 1, 1], [], []>, transpose_lhs_hint = false} : vector<3246x128xf32>, vector<128x64xf32>, vector<3246x64xf32> -> vector<3246x64xf32>
    %add3A_430 = arith.addf %add3A_420, %dot_general3A_429 : vector<3246x64xf32>
    %slice3A_431 = vector.extract_strided_slice %concatenate3A_310 {offsets = [117, 0], sizes = [3246, 128], strides = [1, 1]} : vector<3364x128xf32> to vector<3246x128xf32>
    %get3A_432 = arith.constant 2 : index
    %get3A_433 = arith.constant 3 : index
    %get3A_434 = arith.constant 0 : index
    %get3A_435 = arith.constant 0 : index
    %get3A_436 = vector.load %arg8[%get3A_432, %get3A_433, %get3A_434, %get3A_435] : memref<4x4x128x64xf32, #tpu.memory_space<vmem>>, vector<1x1x128x64xf32>
    %get3A_437 = vector.shape_cast %get3A_436 : vector<1x1x128x64xf32> to vector<128x64xf32>
    %dot_general3A_438 = arith.constant dense<0.000000e+00> : vector<3246x64xf32>
    %dot_general3A_439 = tpu.matmul %slice3A_431, %get3A_437, %dot_general3A_438 {dimension_numbers = #tpu.dot_dimension_numbers<[1], [0], [0], [1], [0, 0, 1, 1], [], []>, transpose_lhs_hint = false} : vector<3246x128xf32>, vector<128x64xf32>, vector<3246x64xf32> -> vector<3246x64xf32>
    %add3A_440 = arith.addf %add3A_430, %dot_general3A_439 : vector<3246x64xf32>
    %add3A_441 = vector.broadcast %get3A_313 : vector<1x64xf32> to vector<3246x64xf32>
    %add3A_442 = arith.addf %add3A_440, %add3A_441 : vector<3246x64xf32>
    %max3A_443 = arith.constant 0.000000e+00 : f32
    %max3A_444 = vector.broadcast %max3A_443 : f32 to vector<3246x64xf32>
    %max3A_445 = arith.maximumf %add3A_442, %max3A_444 : vector<3246x64xf32>
    %slice3A_446 = vector.extract_strided_slice %concatenate3A_310 {offsets = [59, 0], sizes = [3246, 128], strides = [1, 1]} : vector<3364x128xf32> to vector<3246x128xf32>
    %get3A_447 = arith.constant 3 : index
    %get3A_448 = arith.constant 0 : index
    %get3A_449 = arith.constant 0 : index
    %get3A_450 = arith.constant 0 : index
    %get3A_451 = vector.load %arg8[%get3A_447, %get3A_448, %get3A_449, %get3A_450] : memref<4x4x128x64xf32, #tpu.memory_space<vmem>>, vector<1x1x128x64xf32>
    %get3A_452 = vector.shape_cast %get3A_451 : vector<1x1x128x64xf32> to vector<128x64xf32>
    %dot_general3A_453 = arith.constant dense<0.000000e+00> : vector<3246x64xf32>
    %dot_general3A_454 = tpu.matmul %slice3A_446, %get3A_452, %dot_general3A_453 {dimension_numbers = #tpu.dot_dimension_numbers<[1], [0], [0], [1], [0, 0, 1, 1], [], []>, transpose_lhs_hint = false} : vector<3246x128xf32>, vector<128x64xf32>, vector<3246x64xf32> -> vector<3246x64xf32>
    %slice3A_455 = vector.extract_strided_slice %concatenate3A_310 {offsets = [60, 0], sizes = [3246, 128], strides = [1, 1]} : vector<3364x128xf32> to vector<3246x128xf32>
    %get3A_456 = arith.constant 3 : index
    %get3A_457 = arith.constant 1 : index
    %get3A_458 = arith.constant 0 : index
    %get3A_459 = arith.constant 0 : index
    %get3A_460 = vector.load %arg8[%get3A_456, %get3A_457, %get3A_458, %get3A_459] : memref<4x4x128x64xf32, #tpu.memory_space<vmem>>, vector<1x1x128x64xf32>
    %get3A_461 = vector.shape_cast %get3A_460 : vector<1x1x128x64xf32> to vector<128x64xf32>
    %dot_general3A_462 = arith.constant dense<0.000000e+00> : vector<3246x64xf32>
    %dot_general3A_463 = tpu.matmul %slice3A_455, %get3A_461, %dot_general3A_462 {dimension_numbers = #tpu.dot_dimension_numbers<[1], [0], [0], [1], [0, 0, 1, 1], [], []>, transpose_lhs_hint = false} : vector<3246x128xf32>, vector<128x64xf32>, vector<3246x64xf32> -> vector<3246x64xf32>
    %add3A_464 = arith.addf %dot_general3A_454, %dot_general3A_463 : vector<3246x64xf32>
    %slice3A_465 = vector.extract_strided_slice %concatenate3A_310 {offsets = [117, 0], sizes = [3246, 128], strides = [1, 1]} : vector<3364x128xf32> to vector<3246x128xf32>
    %get3A_466 = arith.constant 3 : index
    %get3A_467 = arith.constant 2 : index
    %get3A_468 = arith.constant 0 : index
    %get3A_469 = arith.constant 0 : index
    %get3A_470 = vector.load %arg8[%get3A_466, %get3A_467, %get3A_468, %get3A_469] : memref<4x4x128x64xf32, #tpu.memory_space<vmem>>, vector<1x1x128x64xf32>
    %get3A_471 = vector.shape_cast %get3A_470 : vector<1x1x128x64xf32> to vector<128x64xf32>
    %dot_general3A_472 = arith.constant dense<0.000000e+00> : vector<3246x64xf32>
    %dot_general3A_473 = tpu.matmul %slice3A_465, %get3A_471, %dot_general3A_472 {dimension_numbers = #tpu.dot_dimension_numbers<[1], [0], [0], [1], [0, 0, 1, 1], [], []>, transpose_lhs_hint = false} : vector<3246x128xf32>, vector<128x64xf32>, vector<3246x64xf32> -> vector<3246x64xf32>
    %add3A_474 = arith.addf %add3A_464, %dot_general3A_473 : vector<3246x64xf32>
    %slice3A_475 = vector.extract_strided_slice %concatenate3A_310 {offsets = [118, 0], sizes = [3246, 128], strides = [1, 1]} : vector<3364x128xf32> to vector<3246x128xf32>
    %get3A_476 = arith.constant 3 : index
    %get3A_477 = arith.constant 3 : index
    %get3A_478 = arith.constant 0 : index
    %get3A_479 = arith.constant 0 : index
    %get3A_480 = vector.load %arg8[%get3A_476, %get3A_477, %get3A_478, %get3A_479] : memref<4x4x128x64xf32, #tpu.memory_space<vmem>>, vector<1x1x128x64xf32>
    %get3A_481 = vector.shape_cast %get3A_480 : vector<1x1x128x64xf32> to vector<128x64xf32>
    %dot_general3A_482 = arith.constant dense<0.000000e+00> : vector<3246x64xf32>
    %dot_general3A_483 = tpu.matmul %slice3A_475, %get3A_481, %dot_general3A_482 {dimension_numbers = #tpu.dot_dimension_numbers<[1], [0], [0], [1], [0, 0, 1, 1], [], []>, transpose_lhs_hint = false} : vector<3246x128xf32>, vector<128x64xf32>, vector<3246x64xf32> -> vector<3246x64xf32>
    %add3A_484 = arith.addf %add3A_474, %dot_general3A_483 : vector<3246x64xf32>
    %add3A_485 = vector.broadcast %get3A_313 : vector<1x64xf32> to vector<3246x64xf32>
    %add3A_486 = arith.addf %add3A_484, %add3A_485 : vector<3246x64xf32>
    %max3A_487 = arith.constant 0.000000e+00 : f32
    %max3A_488 = vector.broadcast %max3A_487 : f32 to vector<3246x64xf32>
    %max3A_489 = arith.maximumf %add3A_486, %max3A_488 : vector<3246x64xf32>
    %concatenate3A_490 = tpu.concatenate %max3A_357, %max3A_401, %max3A_445, %max3A_489 in 1 : vector<3246x64xf32>, vector<3246x64xf32>, vector<3246x64xf32>, vector<3246x64xf32> -> vector<3246x256xf32>
    %swap3A = arith.constant 0 : index
    %swap3A_491 = arith.constant 0 : index
    %swap3A_492 = arith.constant 0 : index
    %swap3A_493 = vector.load %arg10[%swap3A, %swap3A_491, %swap3A_492] : memref<1x3246x256xf32, #tpu.memory_space<vmem>>, vector<1x3246x256xf32>
    %swap3A_494 = vector.shape_cast %swap3A_493 : vector<1x3246x256xf32> to vector<3246x256xf32>
    %swap3A_495 = vector.shape_cast %concatenate3A_490 : vector<3246x256xf32> to vector<1x3246x256xf32>
    tpu.vector_store %arg10[%swap3A, %swap3A_491, %swap3A_492], %swap3A_495 {strides = array<i32>} : memref<1x3246x256xf32, #tpu.memory_space<vmem>>, vector<1x3246x256xf32>,
    return
  }
  func.func @transform_0(%arg0: i32) -> (i32, i32, i32) {
    %c0_i32 = arith.constant 0 : i32
    %c0_i32_0 = arith.constant 0 : i32
    %c0_i32_1 = arith.constant 0 : i32
    return %arg0, %c0_i32, %c0_i32_0 : i32, i32, i32
  }
  func.func @transform_1(%arg0: i32) -> (i32, i32, i32) {
    %c0_i32 = arith.constant 0 : i32
    %c0_i32_0 = arith.constant 0 : i32
    %c0_i32_1 = arith.constant 0 : i32
    %c0_i32_2 = arith.constant 0 : i32
    return %c0_i32, %c0_i32_0, %c0_i32_1 : i32, i32, i32
  }
  func.func @transform_2(%arg0: i32) -> (i32, i32) {
    %c0_i32 = arith.constant 0 : i32
    %c0_i32_0 = arith.constant 0 : i32
    %c0_i32_1 = arith.constant 0 : i32
    return %c0_i32, %c0_i32_0 : i32, i32
  }
  func.func @transform_3(%arg0: i32) -> (i32, i32, i32) {
    %c0_i32 = arith.constant 0 : i32
    %c0_i32_0 = arith.constant 0 : i32
    %c0_i32_1 = arith.constant 0 : i32
    %c0_i32_2 = arith.constant 0 : i32
    return %c0_i32, %c0_i32_0, %c0_i32_1 : i32, i32, i32
  }
  func.func @transform_4(%arg0: i32) -> (i32, i32) {
    %c0_i32 = arith.constant 0 : i32
    %c0_i32_0 = arith.constant 0 : i32
    %c0_i32_1 = arith.constant 0 : i32
    return %c0_i32, %c0_i32_0 : i32, i32
  }
  func.func @transform_5(%arg0: i32) -> (i32, i32, i32) {
    %c0_i32 = arith.constant 0 : i32
    %c0_i32_0 = arith.constant 0 : i32
    %c0_i32_1 = arith.constant 0 : i32
    %c0_i32_2 = arith.constant 0 : i32
    return %c0_i32, %c0_i32_0, %c0_i32_1 : i32, i32, i32
  }
  func.func @transform_6(%arg0: i32) -> (i32, i32) {
    %c0_i32 = arith.constant 0 : i32
    %c0_i32_0 = arith.constant 0 : i32
    %c0_i32_1 = arith.constant 0 : i32
    return %c0_i32, %c0_i32_0 : i32, i32
  }
  func.func @transform_7(%arg0: i32) -> (i32, i32, i32, i32) {
    %c0_i32 = arith.constant 0 : i32
    %c0_i32_0 = arith.constant 0 : i32
    %c0_i32_1 = arith.constant 0 : i32
    %c0_i32_2 = arith.constant 0 : i32
    %c0_i32_3 = arith.constant 0 : i32
    return %c0_i32, %c0_i32_0, %c0_i32_1, %c0_i32_2 : i32, i32, i32, i32
  }
  func.func @transform_8(%arg0: i32) -> (i32, i32) {
    %c0_i32 = arith.constant 0 : i32
    %c0_i32_0 = arith.constant 0 : i32
    %c0_i32_1 = arith.constant 0 : i32
    return %c0_i32, %c0_i32_0 : i32, i32
  }
  func.func @transform_9(%arg0: i32) -> (i32, i32, i32) {
    %c0_i32 = arith.constant 0 : i32
    %c0_i32_0 = arith.constant 0 : i32
    %c0_i32_1 = arith.constant 0 : i32
    return %arg0, %c0_i32, %c0_i32_0 : i32, i32, i32
  }
}

module attributes {stable_mosaic.version = 14 : i64} {
  func.func @_convt_body(%arg0: i32, %arg1: i32, %arg2: memref<1x13256x64xf32, #tpu.memory_space<vmem>>, %arg3: memref<4x4x64x3xf32, #tpu.memory_space<vmem>>, %arg4: memref<1x3xf32, #tpu.memory_space<vmem>>, %arg5: memref<1x3256x12xf32, #tpu.memory_space<vmem>>) attributes {dimension_semantics = [#tpu.dimension_semantics<arbitrary>, #tpu.dimension_semantics<arbitrary>], iteration_bounds = array<i64: 8, 4>, scalar_prefetch = 0 : i64, scratch_operands = 0 : i64, tpu.core_type = #tpu.core_type<tc>, window_params = [{transform_indices = @transform_0, window_bounds = array<i64: 1, 13256, 64>}, {pipeline_mode = #tpu.pipeline_mode<synchronous>, transform_indices = @transform_1, window_bounds = array<i64: 4, 4, 64, 3>}, {pipeline_mode = #tpu.pipeline_mode<synchronous>, transform_indices = @transform_2, window_bounds = array<i64: 1, 3>}, {transform_indices = @transform_3, window_bounds = array<i64: 1, 3256, 12>}]} {
    %mul3A = arith.constant 3256 : i32
    %mul3A_0 = arith.muli %arg1, %mul3A : i32
    %multiple_of3A = tpu.assume_multiple %mul3A_0, 8 : i32
    %get3A = arith.constant 0 : index
    %get3A_1 = arith.index_cast %multiple_of3A : i32 to index
    %get3A_2 = arith.constant 0 : index
    %get3A_3 = vector.load %arg2[%get3A, %get3A_1, %get3A_2] : memref<1x13256x64xf32, #tpu.memory_space<vmem>>, vector<1x3488x64xf32>
    %get3A_4 = vector.shape_cast %get3A_3 : vector<1x3488x64xf32> to vector<3488x64xf32>
    %get3A_5 = arith.constant 0 : index
    %get3A_6 = arith.constant 0 : index
    %get3A_7 = vector.load %arg4[%get3A_5, %get3A_6] : memref<1x3xf32, #tpu.memory_space<vmem>>, vector<1x3xf32>
    %slice3A = vector.extract_strided_slice %get3A_4 {offsets = [0, 0], sizes = [3256, 64], strides = [1, 1]} : vector<3488x64xf32> to vector<3256x64xf32>
    %get3A_8 = arith.constant 0 : index
    %get3A_9 = arith.constant 0 : index
    %get3A_10 = arith.constant 0 : index
    %get3A_11 = arith.constant 0 : index
    %get3A_12 = vector.load %arg3[%get3A_8, %get3A_9, %get3A_10, %get3A_11] : memref<4x4x64x3xf32, #tpu.memory_space<vmem>>, vector<1x1x64x3xf32>
    %get3A_13 = vector.shape_cast %get3A_12 : vector<1x1x64x3xf32> to vector<64x3xf32>
    %dot_general3A = arith.constant dense<0.000000e+00> : vector<3256x3xf32>
    %dot_general3A_14 = tpu.matmul %slice3A, %get3A_13, %dot_general3A {dimension_numbers = #tpu.dot_dimension_numbers<[1], [0], [0], [1], [0, 0, 1, 1], [], []>, transpose_lhs_hint = false} : vector<3256x64xf32>, vector<64x3xf32>, vector<3256x3xf32> -> vector<3256x3xf32>
    %slice3A_15 = vector.extract_strided_slice %get3A_4 {offsets = [1, 0], sizes = [3256, 64], strides = [1, 1]} : vector<3488x64xf32> to vector<3256x64xf32>
    %get3A_16 = arith.constant 0 : index
    %get3A_17 = arith.constant 1 : index
    %get3A_18 = arith.constant 0 : index
    %get3A_19 = arith.constant 0 : index
    %get3A_20 = vector.load %arg3[%get3A_16, %get3A_17, %get3A_18, %get3A_19] : memref<4x4x64x3xf32, #tpu.memory_space<vmem>>, vector<1x1x64x3xf32>
    %get3A_21 = vector.shape_cast %get3A_20 : vector<1x1x64x3xf32> to vector<64x3xf32>
    %dot_general3A_22 = arith.constant dense<0.000000e+00> : vector<3256x3xf32>
    %dot_general3A_23 = tpu.matmul %slice3A_15, %get3A_21, %dot_general3A_22 {dimension_numbers = #tpu.dot_dimension_numbers<[1], [0], [0], [1], [0, 0, 1, 1], [], []>, transpose_lhs_hint = false} : vector<3256x64xf32>, vector<64x3xf32>, vector<3256x3xf32> -> vector<3256x3xf32>
    %add3A = arith.addf %dot_general3A_14, %dot_general3A_23 : vector<3256x3xf32>
    %slice3A_24 = vector.extract_strided_slice %get3A_4 {offsets = [114, 0], sizes = [3256, 64], strides = [1, 1]} : vector<3488x64xf32> to vector<3256x64xf32>
    %get3A_25 = arith.constant 0 : index
    %get3A_26 = arith.constant 2 : index
    %get3A_27 = arith.constant 0 : index
    %get3A_28 = arith.constant 0 : index
    %get3A_29 = vector.load %arg3[%get3A_25, %get3A_26, %get3A_27, %get3A_28] : memref<4x4x64x3xf32, #tpu.memory_space<vmem>>, vector<1x1x64x3xf32>
    %get3A_30 = vector.shape_cast %get3A_29 : vector<1x1x64x3xf32> to vector<64x3xf32>
    %dot_general3A_31 = arith.constant dense<0.000000e+00> : vector<3256x3xf32>
    %dot_general3A_32 = tpu.matmul %slice3A_24, %get3A_30, %dot_general3A_31 {dimension_numbers = #tpu.dot_dimension_numbers<[1], [0], [0], [1], [0, 0, 1, 1], [], []>, transpose_lhs_hint = false} : vector<3256x64xf32>, vector<64x3xf32>, vector<3256x3xf32> -> vector<3256x3xf32>
    %add3A_33 = arith.addf %add3A, %dot_general3A_32 : vector<3256x3xf32>
    %slice3A_34 = vector.extract_strided_slice %get3A_4 {offsets = [115, 0], sizes = [3256, 64], strides = [1, 1]} : vector<3488x64xf32> to vector<3256x64xf32>
    %get3A_35 = arith.constant 0 : index
    %get3A_36 = arith.constant 3 : index
    %get3A_37 = arith.constant 0 : index
    %get3A_38 = arith.constant 0 : index
    %get3A_39 = vector.load %arg3[%get3A_35, %get3A_36, %get3A_37, %get3A_38] : memref<4x4x64x3xf32, #tpu.memory_space<vmem>>, vector<1x1x64x3xf32>
    %get3A_40 = vector.shape_cast %get3A_39 : vector<1x1x64x3xf32> to vector<64x3xf32>
    %dot_general3A_41 = arith.constant dense<0.000000e+00> : vector<3256x3xf32>
    %dot_general3A_42 = tpu.matmul %slice3A_34, %get3A_40, %dot_general3A_41 {dimension_numbers = #tpu.dot_dimension_numbers<[1], [0], [0], [1], [0, 0, 1, 1], [], []>, transpose_lhs_hint = false} : vector<3256x64xf32>, vector<64x3xf32>, vector<3256x3xf32> -> vector<3256x3xf32>
    %add3A_43 = arith.addf %add3A_33, %dot_general3A_42 : vector<3256x3xf32>
    %add3A_44 = vector.broadcast %get3A_7 : vector<1x3xf32> to vector<3256x3xf32>
    %add3A_45 = arith.addf %add3A_43, %add3A_44 : vector<3256x3xf32>
    %slice3A_46 = vector.extract_strided_slice %get3A_4 {offsets = [1, 0], sizes = [3256, 64], strides = [1, 1]} : vector<3488x64xf32> to vector<3256x64xf32>
    %get3A_47 = arith.constant 1 : index
    %get3A_48 = arith.constant 0 : index
    %get3A_49 = arith.constant 0 : index
    %get3A_50 = arith.constant 0 : index
    %get3A_51 = vector.load %arg3[%get3A_47, %get3A_48, %get3A_49, %get3A_50] : memref<4x4x64x3xf32, #tpu.memory_space<vmem>>, vector<1x1x64x3xf32>
    %get3A_52 = vector.shape_cast %get3A_51 : vector<1x1x64x3xf32> to vector<64x3xf32>
    %dot_general3A_53 = arith.constant dense<0.000000e+00> : vector<3256x3xf32>
    %dot_general3A_54 = tpu.matmul %slice3A_46, %get3A_52, %dot_general3A_53 {dimension_numbers = #tpu.dot_dimension_numbers<[1], [0], [0], [1], [0, 0, 1, 1], [], []>, transpose_lhs_hint = false} : vector<3256x64xf32>, vector<64x3xf32>, vector<3256x3xf32> -> vector<3256x3xf32>
    %slice3A_55 = vector.extract_strided_slice %get3A_4 {offsets = [2, 0], sizes = [3256, 64], strides = [1, 1]} : vector<3488x64xf32> to vector<3256x64xf32>
    %get3A_56 = arith.constant 1 : index
    %get3A_57 = arith.constant 1 : index
    %get3A_58 = arith.constant 0 : index
    %get3A_59 = arith.constant 0 : index
    %get3A_60 = vector.load %arg3[%get3A_56, %get3A_57, %get3A_58, %get3A_59] : memref<4x4x64x3xf32, #tpu.memory_space<vmem>>, vector<1x1x64x3xf32>
    %get3A_61 = vector.shape_cast %get3A_60 : vector<1x1x64x3xf32> to vector<64x3xf32>
    %dot_general3A_62 = arith.constant dense<0.000000e+00> : vector<3256x3xf32>
    %dot_general3A_63 = tpu.matmul %slice3A_55, %get3A_61, %dot_general3A_62 {dimension_numbers = #tpu.dot_dimension_numbers<[1], [0], [0], [1], [0, 0, 1, 1], [], []>, transpose_lhs_hint = false} : vector<3256x64xf32>, vector<64x3xf32>, vector<3256x3xf32> -> vector<3256x3xf32>
    %add3A_64 = arith.addf %dot_general3A_54, %dot_general3A_63 : vector<3256x3xf32>
    %slice3A_65 = vector.extract_strided_slice %get3A_4 {offsets = [115, 0], sizes = [3256, 64], strides = [1, 1]} : vector<3488x64xf32> to vector<3256x64xf32>
    %get3A_66 = arith.constant 1 : index
    %get3A_67 = arith.constant 2 : index
    %get3A_68 = arith.constant 0 : index
    %get3A_69 = arith.constant 0 : index
    %get3A_70 = vector.load %arg3[%get3A_66, %get3A_67, %get3A_68, %get3A_69] : memref<4x4x64x3xf32, #tpu.memory_space<vmem>>, vector<1x1x64x3xf32>
    %get3A_71 = vector.shape_cast %get3A_70 : vector<1x1x64x3xf32> to vector<64x3xf32>
    %dot_general3A_72 = arith.constant dense<0.000000e+00> : vector<3256x3xf32>
    %dot_general3A_73 = tpu.matmul %slice3A_65, %get3A_71, %dot_general3A_72 {dimension_numbers = #tpu.dot_dimension_numbers<[1], [0], [0], [1], [0, 0, 1, 1], [], []>, transpose_lhs_hint = false} : vector<3256x64xf32>, vector<64x3xf32>, vector<3256x3xf32> -> vector<3256x3xf32>
    %add3A_74 = arith.addf %add3A_64, %dot_general3A_73 : vector<3256x3xf32>
    %slice3A_75 = vector.extract_strided_slice %get3A_4 {offsets = [116, 0], sizes = [3256, 64], strides = [1, 1]} : vector<3488x64xf32> to vector<3256x64xf32>
    %get3A_76 = arith.constant 1 : index
    %get3A_77 = arith.constant 3 : index
    %get3A_78 = arith.constant 0 : index
    %get3A_79 = arith.constant 0 : index
    %get3A_80 = vector.load %arg3[%get3A_76, %get3A_77, %get3A_78, %get3A_79] : memref<4x4x64x3xf32, #tpu.memory_space<vmem>>, vector<1x1x64x3xf32>
    %get3A_81 = vector.shape_cast %get3A_80 : vector<1x1x64x3xf32> to vector<64x3xf32>
    %dot_general3A_82 = arith.constant dense<0.000000e+00> : vector<3256x3xf32>
    %dot_general3A_83 = tpu.matmul %slice3A_75, %get3A_81, %dot_general3A_82 {dimension_numbers = #tpu.dot_dimension_numbers<[1], [0], [0], [1], [0, 0, 1, 1], [], []>, transpose_lhs_hint = false} : vector<3256x64xf32>, vector<64x3xf32>, vector<3256x3xf32> -> vector<3256x3xf32>
    %add3A_84 = arith.addf %add3A_74, %dot_general3A_83 : vector<3256x3xf32>
    %add3A_85 = vector.broadcast %get3A_7 : vector<1x3xf32> to vector<3256x3xf32>
    %add3A_86 = arith.addf %add3A_84, %add3A_85 : vector<3256x3xf32>
    %slice3A_87 = vector.extract_strided_slice %get3A_4 {offsets = [114, 0], sizes = [3256, 64], strides = [1, 1]} : vector<3488x64xf32> to vector<3256x64xf32>
    %get3A_88 = arith.constant 2 : index
    %get3A_89 = arith.constant 0 : index
    %get3A_90 = arith.constant 0 : index
    %get3A_91 = arith.constant 0 : index
    %get3A_92 = vector.load %arg3[%get3A_88, %get3A_89, %get3A_90, %get3A_91] : memref<4x4x64x3xf32, #tpu.memory_space<vmem>>, vector<1x1x64x3xf32>
    %get3A_93 = vector.shape_cast %get3A_92 : vector<1x1x64x3xf32> to vector<64x3xf32>
    %dot_general3A_94 = arith.constant dense<0.000000e+00> : vector<3256x3xf32>
    %dot_general3A_95 = tpu.matmul %slice3A_87, %get3A_93, %dot_general3A_94 {dimension_numbers = #tpu.dot_dimension_numbers<[1], [0], [0], [1], [0, 0, 1, 1], [], []>, transpose_lhs_hint = false} : vector<3256x64xf32>, vector<64x3xf32>, vector<3256x3xf32> -> vector<3256x3xf32>
    %slice3A_96 = vector.extract_strided_slice %get3A_4 {offsets = [115, 0], sizes = [3256, 64], strides = [1, 1]} : vector<3488x64xf32> to vector<3256x64xf32>
    %get3A_97 = arith.constant 2 : index
    %get3A_98 = arith.constant 1 : index
    %get3A_99 = arith.constant 0 : index
    %get3A_100 = arith.constant 0 : index
    %get3A_101 = vector.load %arg3[%get3A_97, %get3A_98, %get3A_99, %get3A_100] : memref<4x4x64x3xf32, #tpu.memory_space<vmem>>, vector<1x1x64x3xf32>
    %get3A_102 = vector.shape_cast %get3A_101 : vector<1x1x64x3xf32> to vector<64x3xf32>
    %dot_general3A_103 = arith.constant dense<0.000000e+00> : vector<3256x3xf32>
    %dot_general3A_104 = tpu.matmul %slice3A_96, %get3A_102, %dot_general3A_103 {dimension_numbers = #tpu.dot_dimension_numbers<[1], [0], [0], [1], [0, 0, 1, 1], [], []>, transpose_lhs_hint = false} : vector<3256x64xf32>, vector<64x3xf32>, vector<3256x3xf32> -> vector<3256x3xf32>
    %add3A_105 = arith.addf %dot_general3A_95, %dot_general3A_104 : vector<3256x3xf32>
    %slice3A_106 = vector.extract_strided_slice %get3A_4 {offsets = [228, 0], sizes = [3256, 64], strides = [1, 1]} : vector<3488x64xf32> to vector<3256x64xf32>
    %get3A_107 = arith.constant 2 : index
    %get3A_108 = arith.constant 2 : index
    %get3A_109 = arith.constant 0 : index
    %get3A_110 = arith.constant 0 : index
    %get3A_111 = vector.load %arg3[%get3A_107, %get3A_108, %get3A_109, %get3A_110] : memref<4x4x64x3xf32, #tpu.memory_space<vmem>>, vector<1x1x64x3xf32>
    %get3A_112 = vector.shape_cast %get3A_111 : vector<1x1x64x3xf32> to vector<64x3xf32>
    %dot_general3A_113 = arith.constant dense<0.000000e+00> : vector<3256x3xf32>
    %dot_general3A_114 = tpu.matmul %slice3A_106, %get3A_112, %dot_general3A_113 {dimension_numbers = #tpu.dot_dimension_numbers<[1], [0], [0], [1], [0, 0, 1, 1], [], []>, transpose_lhs_hint = false} : vector<3256x64xf32>, vector<64x3xf32>, vector<3256x3xf32> -> vector<3256x3xf32>
    %add3A_115 = arith.addf %add3A_105, %dot_general3A_114 : vector<3256x3xf32>
    %slice3A_116 = vector.extract_strided_slice %get3A_4 {offsets = [229, 0], sizes = [3256, 64], strides = [1, 1]} : vector<3488x64xf32> to vector<3256x64xf32>
    %get3A_117 = arith.constant 2 : index
    %get3A_118 = arith.constant 3 : index
    %get3A_119 = arith.constant 0 : index
    %get3A_120 = arith.constant 0 : index
    %get3A_121 = vector.load %arg3[%get3A_117, %get3A_118, %get3A_119, %get3A_120] : memref<4x4x64x3xf32, #tpu.memory_space<vmem>>, vector<1x1x64x3xf32>
    %get3A_122 = vector.shape_cast %get3A_121 : vector<1x1x64x3xf32> to vector<64x3xf32>
    %dot_general3A_123 = arith.constant dense<0.000000e+00> : vector<3256x3xf32>
    %dot_general3A_124 = tpu.matmul %slice3A_116, %get3A_122, %dot_general3A_123 {dimension_numbers = #tpu.dot_dimension_numbers<[1], [0], [0], [1], [0, 0, 1, 1], [], []>, transpose_lhs_hint = false} : vector<3256x64xf32>, vector<64x3xf32>, vector<3256x3xf32> -> vector<3256x3xf32>
    %add3A_125 = arith.addf %add3A_115, %dot_general3A_124 : vector<3256x3xf32>
    %add3A_126 = vector.broadcast %get3A_7 : vector<1x3xf32> to vector<3256x3xf32>
    %add3A_127 = arith.addf %add3A_125, %add3A_126 : vector<3256x3xf32>
    %slice3A_128 = vector.extract_strided_slice %get3A_4 {offsets = [115, 0], sizes = [3256, 64], strides = [1, 1]} : vector<3488x64xf32> to vector<3256x64xf32>
    %get3A_129 = arith.constant 3 : index
    %get3A_130 = arith.constant 0 : index
    %get3A_131 = arith.constant 0 : index
    %get3A_132 = arith.constant 0 : index
    %get3A_133 = vector.load %arg3[%get3A_129, %get3A_130, %get3A_131, %get3A_132] : memref<4x4x64x3xf32, #tpu.memory_space<vmem>>, vector<1x1x64x3xf32>
    %get3A_134 = vector.shape_cast %get3A_133 : vector<1x1x64x3xf32> to vector<64x3xf32>
    %dot_general3A_135 = arith.constant dense<0.000000e+00> : vector<3256x3xf32>
    %dot_general3A_136 = tpu.matmul %slice3A_128, %get3A_134, %dot_general3A_135 {dimension_numbers = #tpu.dot_dimension_numbers<[1], [0], [0], [1], [0, 0, 1, 1], [], []>, transpose_lhs_hint = false} : vector<3256x64xf32>, vector<64x3xf32>, vector<3256x3xf32> -> vector<3256x3xf32>
    %slice3A_137 = vector.extract_strided_slice %get3A_4 {offsets = [116, 0], sizes = [3256, 64], strides = [1, 1]} : vector<3488x64xf32> to vector<3256x64xf32>
    %get3A_138 = arith.constant 3 : index
    %get3A_139 = arith.constant 1 : index
    %get3A_140 = arith.constant 0 : index
    %get3A_141 = arith.constant 0 : index
    %get3A_142 = vector.load %arg3[%get3A_138, %get3A_139, %get3A_140, %get3A_141] : memref<4x4x64x3xf32, #tpu.memory_space<vmem>>, vector<1x1x64x3xf32>
    %get3A_143 = vector.shape_cast %get3A_142 : vector<1x1x64x3xf32> to vector<64x3xf32>
    %dot_general3A_144 = arith.constant dense<0.000000e+00> : vector<3256x3xf32>
    %dot_general3A_145 = tpu.matmul %slice3A_137, %get3A_143, %dot_general3A_144 {dimension_numbers = #tpu.dot_dimension_numbers<[1], [0], [0], [1], [0, 0, 1, 1], [], []>, transpose_lhs_hint = false} : vector<3256x64xf32>, vector<64x3xf32>, vector<3256x3xf32> -> vector<3256x3xf32>
    %add3A_146 = arith.addf %dot_general3A_136, %dot_general3A_145 : vector<3256x3xf32>
    %slice3A_147 = vector.extract_strided_slice %get3A_4 {offsets = [229, 0], sizes = [3256, 64], strides = [1, 1]} : vector<3488x64xf32> to vector<3256x64xf32>
    %get3A_148 = arith.constant 3 : index
    %get3A_149 = arith.constant 2 : index
    %get3A_150 = arith.constant 0 : index
    %get3A_151 = arith.constant 0 : index
    %get3A_152 = vector.load %arg3[%get3A_148, %get3A_149, %get3A_150, %get3A_151] : memref<4x4x64x3xf32, #tpu.memory_space<vmem>>, vector<1x1x64x3xf32>
    %get3A_153 = vector.shape_cast %get3A_152 : vector<1x1x64x3xf32> to vector<64x3xf32>
    %dot_general3A_154 = arith.constant dense<0.000000e+00> : vector<3256x3xf32>
    %dot_general3A_155 = tpu.matmul %slice3A_147, %get3A_153, %dot_general3A_154 {dimension_numbers = #tpu.dot_dimension_numbers<[1], [0], [0], [1], [0, 0, 1, 1], [], []>, transpose_lhs_hint = false} : vector<3256x64xf32>, vector<64x3xf32>, vector<3256x3xf32> -> vector<3256x3xf32>
    %add3A_156 = arith.addf %add3A_146, %dot_general3A_155 : vector<3256x3xf32>
    %slice3A_157 = vector.extract_strided_slice %get3A_4 {offsets = [230, 0], sizes = [3256, 64], strides = [1, 1]} : vector<3488x64xf32> to vector<3256x64xf32>
    %get3A_158 = arith.constant 3 : index
    %get3A_159 = arith.constant 3 : index
    %get3A_160 = arith.constant 0 : index
    %get3A_161 = arith.constant 0 : index
    %get3A_162 = vector.load %arg3[%get3A_158, %get3A_159, %get3A_160, %get3A_161] : memref<4x4x64x3xf32, #tpu.memory_space<vmem>>, vector<1x1x64x3xf32>
    %get3A_163 = vector.shape_cast %get3A_162 : vector<1x1x64x3xf32> to vector<64x3xf32>
    %dot_general3A_164 = arith.constant dense<0.000000e+00> : vector<3256x3xf32>
    %dot_general3A_165 = tpu.matmul %slice3A_157, %get3A_163, %dot_general3A_164 {dimension_numbers = #tpu.dot_dimension_numbers<[1], [0], [0], [1], [0, 0, 1, 1], [], []>, transpose_lhs_hint = false} : vector<3256x64xf32>, vector<64x3xf32>, vector<3256x3xf32> -> vector<3256x3xf32>
    %add3A_166 = arith.addf %add3A_156, %dot_general3A_165 : vector<3256x3xf32>
    %add3A_167 = vector.broadcast %get3A_7 : vector<1x3xf32> to vector<3256x3xf32>
    %add3A_168 = arith.addf %add3A_166, %add3A_167 : vector<3256x3xf32>
    %concatenate3A = tpu.concatenate %add3A_45, %add3A_86, %add3A_127, %add3A_168 in 1 : vector<3256x3xf32>, vector<3256x3xf32>, vector<3256x3xf32>, vector<3256x3xf32> -> vector<3256x12xf32>
    %swap3A = arith.constant 0 : index
    %swap3A_169 = arith.constant 0 : index
    %swap3A_170 = arith.constant 0 : index
    %swap3A_171 = vector.load %arg5[%swap3A, %swap3A_169, %swap3A_170] : memref<1x3256x12xf32, #tpu.memory_space<vmem>>, vector<1x3256x12xf32>
    %swap3A_172 = vector.shape_cast %swap3A_171 : vector<1x3256x12xf32> to vector<3256x12xf32>
    %swap3A_173 = vector.shape_cast %concatenate3A : vector<3256x12xf32> to vector<1x3256x12xf32>
    tpu.vector_store %arg5[%swap3A, %swap3A_169, %swap3A_170], %swap3A_173 {strides = array<i32>} : memref<1x3256x12xf32, #tpu.memory_space<vmem>>, vector<1x3256x12xf32>,
    return
  }
  func.func @transform_0(%arg0: i32, %arg1: i32) -> (i32, i32, i32) {
    %c0_i32 = arith.constant 0 : i32
    %c0_i32_0 = arith.constant 0 : i32
    %c0_i32_1 = arith.constant 0 : i32
    return %arg0, %c0_i32, %c0_i32_0 : i32, i32, i32
  }
  func.func @transform_1(%arg0: i32, %arg1: i32) -> (i32, i32, i32, i32) {
    %c0_i32 = arith.constant 0 : i32
    %c0_i32_0 = arith.constant 0 : i32
    %c0_i32_1 = arith.constant 0 : i32
    %c0_i32_2 = arith.constant 0 : i32
    %c0_i32_3 = arith.constant 0 : i32
    return %c0_i32, %c0_i32_0, %c0_i32_1, %c0_i32_2 : i32, i32, i32, i32
  }
  func.func @transform_2(%arg0: i32, %arg1: i32) -> (i32, i32) {
    %c0_i32 = arith.constant 0 : i32
    %c0_i32_0 = arith.constant 0 : i32
    %c0_i32_1 = arith.constant 0 : i32
    return %c0_i32, %c0_i32_0 : i32, i32
  }
  func.func @transform_3(%arg0: i32, %arg1: i32) -> (i32, i32, i32) {
    %c0_i32 = arith.constant 0 : i32
    %c0_i32_0 = arith.constant 0 : i32
    return %arg0, %arg1, %c0_i32 : i32, i32, i32
  }
}

</mosaic_0001>

<sc_bundles>
// kernel: kernel.8.cloned.1.call-start
scs
__scs_entry_jumppad:
0x0: {  	(pc) =	sbr.rel $0x88, $3  }
0x1: {  	(tag) =	ssettag $0x0;
	lr =	simm.s32 $0x1  }
0x2: {  	[smem:$0x3F89] =	sst lr;
	_ =	strace $0xD0000000  }
0x3: {  	_ = 	snop  }
0x4: {  	_ = 	snop  }
0x5: {  	_ = 	snop  }
0x6: {  	_ = 	snop  }
0x7: {  	_ = 	snop  }
__scs_overlays_trampoline_lowered:
0x8: {  	[smem:$0x3F98] =	sst s0  }
0x9: {  	[smem:$0x3F99] =	sst s1  }
0xa: {  	[smem:$0x3F9A] =	sst s2  }
0xb: {  	[smem:$0x3F9B] =	sst s3  }
0xc: {  	[smem:$0x3F9C] =	sst s4  }
0xd: {  	[smem:$0x3F9D] =	sst s5  }
0xe: {  	[smem:$0x3F9E] =	sst s6  }
0xf: {  	[smem:$0x3F9F] =	sst s7  }
0x10: {  	[smem:$0x3FA0] =	sst s8  }
0x11: {  	[smem:$0x3FA1] =	sst s9;
	s0 =	simm.s32 @!p0 $0x0  }
0x12: {  	s1 =	sld [smem:$0x3F87];
	s0 =	simm.s32 @p0 $0x1  }
0x13: {  	[smem:$0x3FA2] =	sst s0;
	s0 =	simm.s32 @!p1 $0x0  }
0x14: {  	s2 =	sld [smem:$0x3F86];
	s0 =	simm.s32 @p1 $0x1  }
0x15: {  	[smem:$0x3FA3] =	sst s0;
	s0 =	simm.s32 @!p2 $0x0  }
0x16: {  	s3 =	sld [smem:$0x3FDB];
	s0 =	simm.s32 @p2 $0x1  }
0x17: {  	s4 =	simm.s32 $0x1BF5;
	[smem:$0x3FA5] =	sst s0  }
0x18: {  	s0 =	sld [smem:$0x3F88];
	_ =	swait.ge [sflag:s4], $0x0  }
0x19: {  	s7 =	sld [smem:$0x3F89]  }
0x1a: {  	s8 =	sadd.s32 $0xFFFFE003, lr  }
0x1b: {  	s9 =	sadd.s32 $0xFFFFFEF7, lr;
	s5 =	simm.s32 $0xFFFFFFFF;
	p2 =	slt.u32 s8, $0xFFFFF086  }
0x1c: {  	p1 =	slt.u32 s9, $0xF7A;
	s5 =	simm.s32 @!p2 $0x0  }
0x1d: {  	s5 =	simm.s32 @p1 $0x1;
	p0 =	seq.s32 s7, s2  }
0x1e: {  	s7 =	smul.u32 @!p0 $0xF7A, s2;
	p2 =	seq.s32 @!p0 s5, $0x0  }
0x1f: {  	s9 =	smul.u32 $0xF7A, s1;
	s8 =	simm.s32 @!p0 $0x1BF5;
	p2 =	por !p2, p0  }
0x20: {  	[sflag:s8] =	ssyncset.s32 @!p0 $0xFFFFF086;
	s6 =	sadd.s32 @!p0 s3, s7;
	s7 =	simm.s32 @!p0 $0x108  }
0x21: {  	s3 =	sadd.s32 s3, s9;
	s6 =	sadd.s32 @!p0 $0x88, s6;
	s7 =	simm.s32 @p2 $0x1082  }
0x22: {  	[simem:s7], [sflag:s8] =	dma.local @!p0 [hbm:s6], $0xF7A  }
0x23: {  	s9 =	sor.u32 $0xD0000000, s2;
	s6 =	simm.s32 $0x108;
	_ =	swait.ge @!p0 [sflag:s8], $0x0  }
0x24: {  	s3 =	sadd.s32 $0x88, s3;
	s6 =	simm.s32 @!p1 $0x1082;
	[sflag:s4] =	ssyncset.s32 $0xFFFFF086  }
0x25: {  	[simem:s6], [sflag:s4] =	dma.local [hbm:s3], $0xF7A  }
0x26: {  	[smem:$0x3F89] =	sst s1;
	(tag) =	ssettag s2;
	_ =	strace s9  }
0x27: {  	s1 =	sld [smem:$0x3F99]  }
0x28: {  	s2 =	sld [smem:$0x3F9A]  }
0x29: {  	s4 =	sld [smem:$0x3F9C]  }
0x2a: {  	p0 =	seq.s32 s5, $0x0;
	s5 =	sld [smem:$0x3F9D]  }
0x2b: {  	s6 =	sld [smem:$0x3F9E]  }
0x2c: {  	s7 =	sld [smem:$0x3F9F]  }
0x2d: {  	s3 =	simm.s32 $0x108;
	s8 =	sld [smem:$0x3FA0]  }
0x2e: {  	s3 =	simm.s32 @!p0 $0x1082;
	s9 =	sld [smem:$0x3FA1]  }
0x2f: {  	lr =	sadd.s32 s0, s3;
	s0 =	sld [smem:$0x3F98]  }
0x30: {  	s3 =	sld [smem:$0x3F9B]  }
0x31: {  	[smem:$0x3FA4] =	sst s10  }
0x32: {  	s10 =	sld [smem:$0x3FA2];
	_ =	sdelay $0x3  }
0x33: {  	p0 =	seq.s32 s10, $0x1;
	s10 =	sld [smem:$0x3FA4];
	_ =	sdelay $0x3  }
0x34: {  	[smem:$0x3FA4] =	sst s10  }
0x35: {  	s10 =	sld [smem:$0x3FA3];
	_ =	sdelay $0x3  }
0x36: {  	p1 =	seq.s32 s10, $0x1;
	s10 =	sld [smem:$0x3FA4];
	_ =	sdelay $0x3  }
0x37: {  	[smem:$0x3FA4] =	sst s10  }
0x38: {  	s10 =	sld [smem:$0x3FA5]  }
0x39: {  	_ = 	snop;
	(pc) =	sbr.ind lr, $3  }
0x3a: {  	_ = 	snop  }
0x3b: {  	_ = 	snop  }
0x3c: {  	p2 =	seq.s32 s10, $0x1;
	s10 =	sld [smem:$0x3FA4]  }
0x3d: {  	_ =	shalt  }
0x3e: {  	_ =	shalt  }
0x3f: {  	_ =	shalt  }
0x40: {  	_ =	shalt  }
0x41: {  	_ =	shalt  }
0x42: {  	_ =	shalt  }
0x43: {  	_ =	shalt  }
0x44: {  	_ =	shalt  }
0x45: {  	_ =	shalt  }
0x46: {  	_ =	shalt  }
0x47: {  	_ =	shalt  }
0x48: {  	_ =	shalt  }
0x49: {  	_ =	shalt  }
0x4a: {  	_ =	shalt  }
0x4b: {  	_ =	shalt  }
0x4c: {  	_ =	shalt  }
0x4d: {  	_ =	shalt  }
0x4e: {  	_ =	shalt  }
0x4f: {  	_ =	shalt  }
0x50: {  	_ =	shalt  }
0x51: {  	_ =	shalt  }
0x52: {  	_ =	shalt  }
0x53: {  	_ =	shalt  }
0x54: {  	_ =	shalt  }
0x55: {  	_ =	shalt  }
0x56: {  	_ =	shalt  }
0x57: {  	_ =	shalt  }
0x58: {  	_ =	shalt  }
0x59: {  	_ =	shalt  }
0x5a: {  	_ =	shalt  }
0x5b: {  	_ =	shalt  }
0x5c: {  	_ =	shalt  }
0x5d: {  	_ =	shalt  }
0x5e: {  	_ =	shalt  }
0x5f: {  	_ =	shalt  }
0x60: {  	_ =	shalt  }
0x61: {  	_ =	shalt  }
0x62: {  	_ =	shalt  }
0x63: {  	_ =	shalt  }
0x64: {  	_ =	shalt  }
0x65: {  	_ =	shalt  }
0x66: {  	_ =	shalt  }
0x67: {  	_ =	shalt  }
0x68: {  	_ =	shalt  }
0x69: {  	_ =	shalt  }
0x6a: {  	_ =	shalt  }
0x6b: {  	_ =	shalt  }
0x6c: {  	_ =	shalt  }
0x6d: {  	_ =	shalt  }
0x6e: {  	_ =	shalt  }
0x6f: {  	_ =	shalt  }
0x70: {  	_ =	shalt  }
0x71: {  	_ =	shalt  }
0x72: {  	_ =	shalt  }
0x73: {  	_ =	shalt  }
0x74: {  	_ =	shalt  }
0x75: {  	_ =	shalt  }
0x76: {  	_ =	shalt  }
0x77: {  	_ =	shalt  }
0x78: {  	_ =	shalt  }
0x79: {  	_ =	shalt  }
0x7a: {  	_ =	shalt  }
0x7b: {  	_ =	shalt  }
0x7c: {  	_ =	shalt  }
0x7d: {  	_ =	shalt  }
0x7e: {  	_ =	shalt  }
0x7f: {  	_ =	shalt  }
0x80: {  	_ =	shalt  }
0x81: {  	_ =	shalt  }
0x82: {  	_ =	shalt  }
0x83: {  	_ =	shalt  }
0x84: {  	_ =	shalt  }
0x85: {  	_ =	shalt  }
0x86: {  	_ =	shalt  }
0x87: {  	_ =	shalt  }
.Lfunc_end0:
.L_simem_size_0:
called_computation_lowered:
.L_overlay_start_0:
0x88: {  	s2 =	sld [smem:$0x3FD9]  }
0x89: {  	s3 =	sld [smem:$0x3FFE];
	_ =	sdelay $0x1  }
0x8a: {  	s1 =	srdreg.scid  }
0x8b: {  	s0 =	sand.u32 $0x1, s1  }
0x8c: {  	s16 =	sshll.u32 s0, $0xA;
	s2 =	sadd.s32 s3, s2  }
0x8d: {  	s2 =	sadd.s32 s2, s16  }
0x8e: {  	[smem:$0x3FB0] =	sst s2  }
0x8f: {  	_ = 	snop  }
0x90: {  	(tm) =	ssettm $0x1  }
0x91: {  	s17 =	sld [smem:$0x3FFB];
	_ =	sdelay $0x3  }
0x92: {  	_ =	strace s17  }
0x93: {  	s2 =	sld [smem:$0x3FFC];
	_ =	sdelay $0x3  }
0x94: {  	_ =	strace s2  }
0x95: {  	s2 =	sld [smem:$0x3FFD];
	_ =	sdelay $0x3  }
0x96: {  	_ =	strace s2  }
0x97: {  	_ =	strace $0x8FFFFFFF  }
0x98: {  	s18 =	sld [smem:$0x3FDB];
	_ =	sdelay $0x1  }
0x99: {  	s19 =	simm.s32 $_scs_section_size  }
0x9a: {  	s4 =	simm.s32 $_size__tile_overlayer_lowered;
	s5 =	simm.s32 $_tile_overlayer_lowered  }
0x9b: {  	s22 =	simm.s32 $0x1BFF;
	s21 =	sshll.u32 s5, $0x1;
	s2 =	sadd.s32 s19, s18  }
0x9c: {  	s6 =	simm.s32 $0x0;
	s20 =	sshll.u32 s4, $0x1;
	s4 =	sadd.s32 s21, s2  }
0x9d: {  	[timem:s6], [sflag:s22] =	dma.local [hbm:s4], s20  }
0x9e: {  	_ =	swait.ge [sflag:s22], s20  }
0x9f: {  	s3 =	ssub.s32 $0x0, s20;
	[sflag:s22] =	ssyncset.done $0x0  }
0xa0: {  	[sflag:s22] =	ssyncadd.s32 s3;
	_ =	sdelay $0x1  }
0xa1: {  	s23 =	simm.s32 $0x1B8B  }
0xa2: {  	_ =	swait.ge [sflag:s23], $0x1  }
0xa3: {  	[sflag:s23] =	ssyncset.done $0x0  }
0xa4: {  	s25 =	simm.s32 $0x1B8E;
	s24 =	sld [smem:$0x3FFE];
	[sflag:s23] =	ssyncadd.s32 $0xFFFFFFFF  }
0xa5: {  	s26 =	simm.s32 $execute0_lowered;
	[smem:$0x3FD2] =	sst s25  }
0xa6: {  	s4 =	sshll.u32 s26, $0x1;
	_ =	strace $0x80000046;
	[dreg:$0x1] =	wrdreg $0xFFFFFFFF  }
0xa7: {  	s28 =	simm.s32 $_size_execute0_lowered;
	s2 =	sadd.s32 s2, s4;
	[dreg:$0x0] =	wrdreg $0x0  }
0xa8: {  	s4 =	sshll.u32 s28, $0x1;
	[dreg:$0x2] =	wrdreg s2  }
0xa9: {  	[dreg:$0x3] =	wrdreg s4  }
0xaa: {  	[dreg:$0x4] =	wrdreg $0xC0  }
0xab: {  	_ =	task [dreg:s6], $0x5FFFF  }
0xac: {  	[dreg:$0x1] =	wrdreg $0xFFFFFFFF  }
0xad: {  	[dreg:$0x0] =	wrdreg $0x60  }
0xae: {  	[dreg:$0x2] =	wrdreg s24  }
0xaf: {  	[dreg:$0x3] =	wrdreg $0x9  }
0xb0: {  	_ =	task.clear_ibuf [dreg:s6], $0x4FFFF;
	_ =	strace $0x90000046  }
0xb1: {  	s29 =	simm.s32 $0x9;
	_ =	strace $0x80000048  }
0xb2: {  	_ =	swait.ge [sflag:s29], $0x1  }
0xb3: {  	[sflag:s29] =	ssyncadd.s32 $0xFFFFFFFF  }
0xb4: {  	_ =	strace $0x90000048  }
0xb5: {  	_ =	sfence  }
0xb6: {  	s30 =	sld [smem:$0x0];
	_ =	sdelay $0x2  }
0xb7: {  	s31 =	sshll.u32 s1, $0xD;
	s1 =	sshrl.u32 s1, $0x2  }
0xb8: {  	s3 =	sand.u32 $0x4000, s31;
	s1 =	sadd.s32 s1, s30  }
0xb9: {  	s0 =	sor.u32 s3, s0;
	s1 =	sshll.u32 s1, $0x11  }
0xba: {  	s0 =	sor.u32 s1, s0  }
0xbb: {  	s0 =	sadd.s32 $0x8F2B, s0  }
0xbc: {  	[sflag:s0] =	ssyncadd.remote.s32 $0x1  }
0xbd: {  	_ =	sfence.sel $0xFFFF  }
0xbe: {  	[dreg:$0x0] =	wrdreg $0xFFFFFFFF;
	(pc) =	sbr.abs _section_cstart, $3  }
0xbf: {  	[dreg:$0x1] =	wrdreg $0xFFFFFFFF  }
0xc0: {  	_ =	task.clear_ibuf [dreg:s6], $0x2FFFF;
	_ =	strace $0x9FFFFFFF  }
0xc1: {  	(tm) =	ssettm $0x7FFFFFFF  }
tec
execute0_lowered:
.L_overlay_start_1:
0x0: {  	(tag) =	ssettag $0x1  }
0x1: {  	s1 =	srdreg.scid;
	s0 =	stileid.u32  }
0x2: {  	s20 =	sand.u32 $0x1, s1;
	s29 =	sshll.u32 s0, $0x1  }
0x3: {  	s21 =	sor.u32 s20, s29  }
0x4: {  	s22 =	rddreg [dreg:$0x0];
	s3 =	smul.u32 $0x70, s21  }
0x5: {  	s2 =	simm.s32 $0x0;
	s1 =	rddreg [dreg:$0x1]  }
0x6: {  	[smem:$0x7FF] =	sst s2;
	s3 =	sadd.s32 s3, s22  }
0x7: {  	_ =	strace $0x80000047;
	s4 =	sadd.s32 $0x6400, s3;
	s3 =	simm.s32 $0x2  }
0x8: {  	[tilespmem:s2], [sflag:$0x2] =	stream.linear.gather [hbm4b:s4+s2], $0x380, $0x38;
	[tilespmem:$0x1C380] =	vst v63  }
0x9: {  	_ =	swait.ge [sflag:s3], $0x380  }
0xa: {  	s6 =	simm.s32 $0x80;
	[sflag:s3] =	ssyncset.done $0x0  }
0xb: {  	s7 =	simm.s32 $0x380;
	s5 =	sadd.s32 $0x4200, s22;
	[sflag:s3] =	ssyncadd.s32 $0xFFFFFC80  }
0xc: {  	[tilespmem:s7], [sflag:$0x1] =	stream.indirect.gather [hbm4b:s5+s6], $0x80, s2, s6, $0xb8;
	[tilespmem:$0x1C380] =	vst v63  }
0xd: {  	s8 =	simm.s32 $0x4380  }
0xe: {  	[tilespmem:s8], [sflag:$0x1] =	stream.indirect.gather [hbm4b:s5+s6], $0x80, s6, s6, $0xb8;
	[tilespmem:$0x1C380] =	vst v63  }
0xf: {  	s9 =	simm.s32 $0x100;
	s10 =	simm.s32 $0x8380  }
0x10: {  	[tilespmem:s10], [sflag:$0x1] =	stream.indirect.gather [hbm4b:s5+s6], $0x80, s9, s6, $0xb8;
	[tilespmem:$0x1C380] =	vst v63  }
0x11: {  	s11 =	simm.s32 $0x180;
	s12 =	simm.s32 $0xC380  }
0x12: {  	[tilespmem:s12], [sflag:$0x1] =	stream.indirect.gather [hbm4b:s5+s6], $0x80, s11, s6, $0xb8;
	[tilespmem:$0x1C380] =	vst v63  }
0x13: {  	s13 =	simm.s32 $0x200;
	s14 =	simm.s32 $0x10380  }
0x14: {  	[tilespmem:s14], [sflag:$0x1] =	stream.indirect.gather [hbm4b:s5+s6], $0x80, s13, s6, $0xb8;
	[tilespmem:$0x1C380] =	vst v63  }
0x15: {  	s15 =	simm.s32 $0x280;
	s16 =	simm.s32 $0x14380  }
0x16: {  	[tilespmem:s16], [sflag:$0x1] =	stream.indirect.gather [hbm4b:s5+s6], $0x80, s15, s6, $0xb8;
	[tilespmem:$0x1C380] =	vst v63  }
0x17: {  	s17 =	simm.s32 $0x300;
	s18 =	simm.s32 $0x18380;
	s19 =	simm.s32 $0x1  }
0x18: {  	[tilespmem:s18], [sflag:$0x1] =	stream.indirect.gather [hbm4b:s5+s6], $0x80, s17, s6, $0xb8;
	[tilespmem:$0x1C380] =	vst v63  }
0x19: {  	_ =	swait.ge [sflag:s19], $0x4000  }
0x1a: {  	[sflag:s19] =	ssyncset.done $0x0  }
0x1b: {  	[sflag:s19] =	ssyncadd.s32 $0xFFFFC000  }
0x1c: {  	_ =	swait.ge [sflag:s19], $0x4000  }
0x1d: {  	[sflag:s19] =	ssyncset.done $0x0  }
0x1e: {  	[sflag:s19] =	ssyncadd.s32 $0xFFFFC000  }
0x1f: {  	_ =	swait.ge [sflag:s19], $0x4000  }
0x20: {  	[sflag:s19] =	ssyncset.done $0x0  }
0x21: {  	[sflag:s19] =	ssyncadd.s32 $0xFFFFC000  }
0x22: {  	_ =	swait.ge [sflag:s19], $0x4000  }
0x23: {  	[sflag:s19] =	ssyncset.done $0x0  }
0x24: {  	[sflag:s19] =	ssyncadd.s32 $0xFFFFC000  }
0x25: {  	_ =	swait.ge [sflag:s19], $0x4000  }
0x26: {  	[sflag:s19] =	ssyncset.done $0x0  }
0x27: {  	s20 =	ssub.s32 $0x2, s20;
	[sflag:s19] =	ssyncadd.s32 $0xFFFFC000  }
0x28: {  	s23 =	sshrl.u32 s20, $0x1;
	_ =	swait.ge [sflag:s19], $0x4000  }
0x29: {  	s30 =	ssub.s32 s20, s23;
	[sflag:s19] =	ssyncset.done $0x0  }
0x2a: {  	s21 =	smul.u32 $0x3800, s21;
	s31 =	smax.u32 s30, $0x1;
	[sflag:s19] =	ssyncadd.s32 $0xFFFFC000  }
0x2b: {  	p0 =	sne.s32 s31, $0x1;
	_ =	swait.ge [sflag:s19], $0x4000  }
.Ltmp0:
0x2c: {  	s21 =	sadd.s32 s21, s22;
	[sflag:s19] =	ssyncset.done $0x0;
	(pc) =	sbr.rel @!p0 .LBB2_2-.Ltmp0, $4  }
0x2d: {  	s20 =	sadd.s32 $0x7200, s21;
	[sflag:s19] =	ssyncadd.s32 $0xFFFFC000  }
0x2e: {  	[hbm4b:s20+s2] =	stream.linear.scatter [tilespmem:s7], [sflag:$0x2], $0x1C000, $0x38;
	[tilespmem:$0x1C380] =	vst v63  }
0x2f: {  	_ =	swait.ge [sflag:s3], $0x1C000  }
0x30: {  	s21 =	sadd.s32 $0xFFFFFFFF, s31;
	[sflag:s3] =	ssyncset.done $0x0  }
.LBB2_1:
0x31: {  	p0 =	sne.s32 s21, $0x1;
	s21 =	sadd.s32 $0xFFFFFFFF, s21;
	[sflag:s3] =	ssyncadd.s32 $0xFFFE4000  }
0x32: {  	[tilespmem:s2], [sflag:$0x2] =	stream.linear.gather [hbm4b:s4+s2], $0x380, $0x38;
	[tilespmem:$0x1C380] =	vst v63  }
0x33: {  	_ =	swait.ge [sflag:s3], $0x380  }
0x34: {  	[sflag:s3] =	ssyncset.done $0x0  }
0x35: {  	[sflag:s3] =	ssyncadd.s32 $0xFFFFFC80  }
0x36: {  	[tilespmem:s7], [sflag:$0x1] =	stream.indirect.gather [hbm4b:s5+s6], $0x80, s2, s6, $0xb8;
	[tilespmem:$0x1C380] =	vst v63  }
0x37: {  	_ = 	snop  }
0x38: {  	[tilespmem:s8], [sflag:$0x1] =	stream.indirect.gather [hbm4b:s5+s6], $0x80, s6, s6, $0xb8;
	[tilespmem:$0x1C380] =	vst v63  }
0x39: {  	_ = 	snop  }
0x3a: {  	[tilespmem:s10], [sflag:$0x1] =	stream.indirect.gather [hbm4b:s5+s6], $0x80, s9, s6, $0xb8;
	[tilespmem:$0x1C380] =	vst v63  }
0x3b: {  	_ = 	snop  }
0x3c: {  	[tilespmem:s12], [sflag:$0x1] =	stream.indirect.gather [hbm4b:s5+s6], $0x80, s11, s6, $0xb8;
	[tilespmem:$0x1C380] =	vst v63  }
0x3d: {  	_ = 	snop  }
0x3e: {  	[tilespmem:s14], [sflag:$0x1] =	stream.indirect.gather [hbm4b:s5+s6], $0x80, s13, s6, $0xb8;
	[tilespmem:$0x1C380] =	vst v63  }
0x3f: {  	_ = 	snop  }
0x40: {  	[tilespmem:s16], [sflag:$0x1] =	stream.indirect.gather [hbm4b:s5+s6], $0x80, s15, s6, $0xb8;
	[tilespmem:$0x1C380] =	vst v63  }
0x41: {  	_ = 	snop  }
0x42: {  	[tilespmem:s18], [sflag:$0x1] =	stream.indirect.gather [hbm4b:s5+s6], $0x80, s17, s6, $0xb8;
	[tilespmem:$0x1C380] =	vst v63  }
0x43: {  	_ =	swait.ge [sflag:s19], $0x4000  }
0x44: {  	[sflag:s19] =	ssyncset.done $0x0  }
0x45: {  	[sflag:s19] =	ssyncadd.s32 $0xFFFFC000  }
0x46: {  	_ =	swait.ge [sflag:s19], $0x4000  }
0x47: {  	[sflag:s19] =	ssyncset.done $0x0  }
0x48: {  	[sflag:s19] =	ssyncadd.s32 $0xFFFFC000  }
0x49: {  	_ =	swait.ge [sflag:s19], $0x4000  }
0x4a: {  	[sflag:s19] =	ssyncset.done $0x0  }
0x4b: {  	[sflag:s19] =	ssyncadd.s32 $0xFFFFC000  }
0x4c: {  	_ =	swait.ge [sflag:s19], $0x4000  }
0x4d: {  	[sflag:s19] =	ssyncset.done $0x0  }
0x4e: {  	[sflag:s19] =	ssyncadd.s32 $0xFFFFC000  }
0x4f: {  	_ =	swait.ge [sflag:s19], $0x4000  }
0x50: {  	[sflag:s19] =	ssyncset.done $0x0  }
0x51: {  	[sflag:s19] =	ssyncadd.s32 $0xFFFFC000  }
0x52: {  	_ =	swait.ge [sflag:s19], $0x4000  }
0x53: {  	[sflag:s19] =	ssyncset.done $0x0  }
0x54: {  	[sflag:s19] =	ssyncadd.s32 $0xFFFFC000  }
0x55: {  	_ =	swait.ge [sflag:s19], $0x4000  }
.Ltmp1:
0x56: {  	[sflag:s19] =	ssyncset.done $0x0;
	(pc) =	sbr.rel @p0 .LBB2_1-.Ltmp1, $4  }
0x57: {  	[sflag:s19] =	ssyncadd.s32 $0xFFFFC000  }
0x58: {  	[hbm4b:s20+s2] =	stream.linear.scatter [tilespmem:s7], [sflag:$0x2], $0x1C000, $0x38;
	[tilespmem:$0x1C380] =	vst v63  }
0x59: {  	_ =	swait.ge [sflag:s3], $0x1C000  }
0x5a: {  	[sflag:s3] =	ssyncset.done $0x0  }
.LBB2_2:
0x5b: {  	[sflag:s3] =	ssyncadd.s32 $0xFFFE4000  }
0x5c: {  	_ =	sfence.sel $0x180000  }
0x5d: {  	[bflag:$0x0] =	sbarrier.arrive $0xFFFF  }
0x5e: {  	p0 =	sne.s32 s0, $0x0;
	_ =	strace $0x90000047  }
0x5f: {  	s0 =	sadd.s32 @!p0 $0x100000, s1;
	[bflag:$0x2] =	sbarrier.arrive $0xFFFF  }
0x60: {  	[sflag:s0] =	ssyncadd.tile.s32 @!p0 $0x1;
	_ =	shalt  }
.Lfunc_end2:
_tile_overlayer_lowered:
.L_overlay_start_2:
0x61: {  	(tag) =	ssettag $0x2  }
0x62: {  	s0 =	rddreg [dreg:$0x0];
	s2 =	stileid.u32  }
0x63: {  	s1 =	rddreg [dreg:$0x1];
	p0 =	sne.s32 s2, $0x0  }
0x64: {  	s3 =	rddreg [dreg:$0x2];
	[bflag:$0x3] =	sbarrier.arrive $0xFFFF;
	s2 =	simm.s32 @!p0 $0x1C02  }
0x65: {  	[timem:s3], [sflag:s2] =	dma.local @!p0 [hbm:s0], s1  }
0x66: {  	s0 =	simm.s32 @!p0 $0x2  }
0x67: {  	_ =	swait.ge @!p0 [sflag:s0], s1  }
0x68: {  	s1 =	ssub.s32 @!p0 $0x0, s1;
	[sflag:s0] =	ssyncset.done @!p0 $0x0  }
0x69: {  	[sflag:s0] =	ssyncadd.s32 @!p0 s1  }
0x6a: {  	[bflag:$0x3] =	sbarrier.arrive $0xFFFF  }
0x6b: {  	_ =	shalt  }

</sc_bundles>
